<compile_context>
chip_gen: v7x
topology: tpu7x:2x2x1
jax: 0.10.2.dev20260603
libtpu: 0.0.44.dev20260713+nightly
codegen_flags: <defaults>
</compile_context>

<pallas_src>
import functools

import jax
import jax.numpy as jnp
from jax import lax
from jax.experimental import pallas as pl
from jax.experimental.pallas import tpu as pltpu
from jax.experimental.pallas import tpu_sc as plsc

N = 10000
NPAD = 10240
E = 320000
D_IN = 128
D_H = 256
NC = 2
NS = 16
K = 80
RB = 512
LANES = 16

_MESH = plsc.VectorSubcoreMesh(core_axis_name="c", subcore_axis_name="s")
_SC_PARAMS = pltpu.CompilerParams(needs_layout_passes=False)


@functools.partial(
    pl.kernel,
    mesh=_MESH,
    compiler_params=_SC_PARAMS,
    out_type=jax.ShapeDtypeStruct((NC, NPAD, D_IN), jnp.float32),
    scratch_types=[
        pltpu.VMEM((1, K), jnp.int32),
        pltpu.VMEM((K, D_IN), jnp.float32),
        pltpu.VMEM_SHARED((NPAD, D_IN), jnp.float32),
    ],
)
def _sc_degree(dst_hbm, out_hbm, didx, vbuf, hist):
    c = lax.axis_index("c")
    s = lax.axis_index("s")
    epw = E // (NC * NS)
    zero16 = jnp.zeros((LANES,), jnp.float32)
    one16 = jnp.ones((LANES,), jnp.float32)

    def fill(val):
        def fb(i, carry):
            for j in range(D_IN // LANES):
                vbuf[i, pl.ds(j * LANES, LANES)] = val
            return carry
        lax.fori_loop(0, K, fb, 0)

    rpt = NPAD // NS
    fill(zero16)

    def zc(q, carry):
        pltpu.sync_copy(vbuf, hist.at[pl.ds(s * rpt + q * K, K)])
        return carry

    lax.fori_loop(0, rpt // K, zc, 0)
    fill(one16)
    plsc.subcore_barrier()

    base = (c * NS + s) * epw

    def body(g, carry):
        pltpu.sync_copy(dst_hbm.at[pl.ds(base + g * K, K)], didx.at[0])
        pltpu.sync_copy(vbuf, hist.at[didx.at[0]], add=True)
        return carry

    lax.fori_loop(0, epw // K, body, 0)
    plsc.subcore_barrier()
    pltpu.sync_copy(hist.at[pl.ds(s * rpt, rpt)], out_hbm.at[c, pl.ds(s * rpt, rpt)])


@functools.partial(
    pl.kernel,
    mesh=_MESH,
    compiler_params=_SC_PARAMS,
    out_type=jax.ShapeDtypeStruct((NC, NPAD, D_IN), jnp.float32),
    scratch_types=[
        pltpu.VMEM((K,), jnp.int32),
        pltpu.VMEM((1, K), jnp.int32),
        pltpu.VMEM((K, D_IN), jnp.float32),
        pltpu.VMEM((40, D_IN), jnp.float32),
        pltpu.VMEM_SHARED((NPAD, D_IN), jnp.float32),
        pltpu.SemaphoreType.DMA,
    ],
)
def _sc_agg1(xs_hbm, src_hbm, dst_hbm, out_hbm, sidx, didx, rows, zbuf, acc, sem):
    c = lax.axis_index("c")
    s = lax.axis_index("s")
    epw = E // (NC * NS)
    zero16 = jnp.zeros((LANES,), jnp.float32)

    def zb(i, carry):
        for j in range(D_IN // LANES):
            zbuf[i, pl.ds(j * LANES, LANES)] = zero16
        return carry

    lax.fori_loop(0, 40, zb, 0)

    rpt = NPAD // NS

    def zc(q, carry):
        pltpu.sync_copy(zbuf, acc.at[pl.ds(s * rpt + q * 40, 40)])
        return carry

    lax.fori_loop(0, rpt // 40, zc, 0)
    plsc.subcore_barrier()

    base = (c * NS + s) * epw

    def body(g, carry):
        eb = base + g * K
        pltpu.sync_copy(src_hbm.at[pl.ds(eb, K)], sidx)
        pltpu.sync_copy(dst_hbm.at[pl.ds(eb, K)], didx.at[0])
        pltpu.async_copy(xs_hbm.at[sidx], rows, sem).wait()
        pltpu.sync_copy(rows, acc.at[didx.at[0]], add=True)
        return carry

    lax.fori_loop(0, epw // K, body, 0)
    plsc.subcore_barrier()
    pltpu.sync_copy(acc.at[pl.ds(s * rpt, rpt)], out_hbm.at[c, pl.ds(s * rpt, rpt)])


@functools.partial(
    pl.kernel,
    mesh=_MESH,
    compiler_params=_SC_PARAMS,
    out_type=jax.ShapeDtypeStruct((NC, NPAD, D_IN), jnp.float32),
    scratch_types=[
        pltpu.VMEM((K,), jnp.int32),
        pltpu.VMEM((1, K), jnp.int32),
        pltpu.VMEM((K, D_IN), jnp.float32),
        pltpu.VMEM((40, D_IN), jnp.float32),
        pltpu.VMEM_SHARED((NPAD, D_IN), jnp.float32),
        pltpu.SemaphoreType.DMA,
    ],
)
def _sc_agg2(y_hbm, src_hbm, dst_hbm, out_hbm, sidx, didx, rows, zbuf, acc, sem):
    c = lax.axis_index("c")
    s = lax.axis_index("s")
    ept = E // NS
    zero16 = jnp.zeros((LANES,), jnp.float32)

    def zb(i, carry):
        for j in range(D_IN // LANES):
            zbuf[i, pl.ds(j * LANES, LANES)] = zero16
        return carry

    lax.fori_loop(0, 40, zb, 0)

    rpt = NPAD // NS

    def zc(q, carry):
        pltpu.sync_copy(zbuf, acc.at[pl.ds(s * rpt + q * 40, 40)])
        return carry

    lax.fori_loop(0, rpt // 40, zc, 0)
    plsc.subcore_barrier()

    base = s * ept
    off = c * NPAD

    def body(g, carry):
        eb = base + g * K
        pltpu.sync_copy(src_hbm.at[pl.ds(eb, K)], sidx)
        pltpu.sync_copy(dst_hbm.at[pl.ds(eb, K)], didx.at[0])
        for j in range(K // LANES):
            sidx[pl.ds(j * LANES, LANES)] = sidx[pl.ds(j * LANES, LANES)] + off
        pltpu.async_copy(y_hbm.at[sidx], rows, sem).wait()
        pltpu.sync_copy(rows, acc.at[didx.at[0]], add=True)
        return carry

    lax.fori_loop(0, ept // K, body, 0)
    plsc.subcore_barrier()
    pltpu.sync_copy(acc.at[pl.ds(s * rpt, rpt)], out_hbm.at[c, pl.ds(s * rpt, rpt)])


def _prep_body(degp_ref, x_ref, dinv_ref, xs_ref):
    i = pl.program_id(0)
    deg = jnp.sum(degp_ref[...], axis=1, keepdims=True) + 1.0
    dv = 1.0 / jnp.sqrt(jnp.maximum(deg, 1e-12))
    row = lax.broadcasted_iota(jnp.int32, (RB, 1), 0) + i * RB
    dv = jnp.where(row < N, dv, 0.0)
    dinv_ref[...] = dv
    xs_ref[...] = dv * x_ref[...]


def _mid_body(agg_ref, xs_ref, dinv_ref, w1_ref, b1_ref, y_ref):
    dv = dinv_ref[...]
    t = agg_ref[0] + agg_ref[1] + xs_ref[...]
    pre = dv * t
    h = jnp.dot(pre, w1_ref[...], preferred_element_type=jnp.float32,
                precision=lax.Precision.HIGHEST)
    h = jnp.maximum(h + b1_ref[...], 0.0)
    y = dv * h
    y_ref[0] = y[:, :D_IN]
    y_ref[1] = y[:, D_IN:]


def _out_body(agg2_ref, y3_ref, dinv_ref, w2_ref, b2_ref, wl_ref, bl_ref, o_ref):
    dv = dinv_ref[...]
    t0 = dv * (agg2_ref[0] + y3_ref[0])
    t1 = dv * (agg2_ref[1] + y3_ref[1])
    h = (jnp.dot(t0, w2_ref[0], preferred_element_type=jnp.float32,
                 precision=lax.Precision.HIGHEST)
         + jnp.dot(t1, w2_ref[1], preferred_element_type=jnp.float32,
                   precision=lax.Precision.HIGHEST))
    h = jnp.maximum(h + b2_ref[...], 0.0)
    o_ref[...] = jnp.dot(h, wl_ref[...], preferred_element_type=jnp.float32,
                         precision=lax.Precision.HIGHEST) + bl_ref[...]


_GRID = (NPAD // RB,)


def _tc_prep(degp_t, x_pad):
    return pl.pallas_call(
        _prep_body,
        grid=_GRID,
        in_specs=[
            pl.BlockSpec((RB, NC), lambda i: (i, 0)),
            pl.BlockSpec((RB, D_IN), lambda i: (i, 0)),
        ],
        out_specs=[
            pl.BlockSpec((RB, 1), lambda i: (i, 0)),
            pl.BlockSpec((RB, D_IN), lambda i: (i, 0)),
        ],
        out_shape=[
            jax.ShapeDtypeStruct((NPAD, 1), jnp.float32),
            jax.ShapeDtypeStruct((NPAD, D_IN), jnp.float32),
        ],
    )(degp_t, x_pad)


def _tc_mid(agg1, xs, dinv, w1, b1):
    return pl.pallas_call(
        _mid_body,
        grid=_GRID,
        in_specs=[
            pl.BlockSpec((NC, RB, D_IN), lambda i: (0, i, 0)),
            pl.BlockSpec((RB, D_IN), lambda i: (i, 0)),
            pl.BlockSpec((RB, 1), lambda i: (i, 0)),
            pl.BlockSpec((D_IN, D_H), lambda i: (0, 0)),
            pl.BlockSpec((1, D_H), lambda i: (0, 0)),
        ],
        out_specs=pl.BlockSpec((NC, RB, D_IN), lambda i: (0, i, 0)),
        out_shape=jax.ShapeDtypeStruct((NC, NPAD, D_IN), jnp.float32),
    )(agg1, xs, dinv, w1, b1)


def _tc_out(agg2, y3, dinv, w2, b2, wl, bl):
    return pl.pallas_call(
        _out_body,
        grid=_GRID,
        in_specs=[
            pl.BlockSpec((NC, RB, D_IN), lambda i: (0, i, 0)),
            pl.BlockSpec((NC, RB, D_IN), lambda i: (0, i, 0)),
            pl.BlockSpec((RB, 1), lambda i: (i, 0)),
            pl.BlockSpec((NC, D_IN, D_H), lambda i: (0, 0, 0)),
            pl.BlockSpec((1, D_H), lambda i: (0, 0)),
            pl.BlockSpec((D_H, 1), lambda i: (0, 0)),
            pl.BlockSpec((1, 1), lambda i: (0, 0)),
        ],
        out_specs=pl.BlockSpec((RB, 1), lambda i: (i, 0)),
        out_shape=jax.ShapeDtypeStruct((NPAD, 1), jnp.float32),
    )(agg2, y3, dinv, w2, b2, wl, bl)


def kernel(x, edge_index, W1, b1, W2, b2, Wl, bl):
    src = edge_index[0]
    dst = edge_index[1]
    x_pad = jnp.pad(x, ((0, NPAD - N), (0, 0)))

    degp = _sc_degree(dst)
    dinv, xs = _tc_prep(degp[:, :, 0].T, x_pad)
    agg1 = _sc_agg1(xs, src, dst)
    y3 = _tc_mid(agg1, xs, dinv, W1, b1.reshape(1, D_H))
    y_flat = y3.reshape(NC * NPAD, D_IN)
    agg2 = _sc_agg2(y_flat, src, dst)
    out = _tc_out(agg2, y3, dinv, W2.reshape(NC, D_IN, D_H),
                  b2.reshape(1, D_H), Wl, bl.reshape(1, 1))
    return out[:N, 0]

# --- scband reference (transcript-rebuilt; emitter-appended) ---
"""Pipeline reference for scband-knapsack-gnn-32023276159367 (READ-ONLY COPY).

The authoritative reference and input builder live on the scoring server;
editing this copy changes nothing except your own understanding.
"""

import jax, jax.numpy as jnp
import numpy as np

N = 10000
E = 320000
IN_DIM = 128
HID = 256


def setup_inputs(seed: int = 0) -> dict:
    key = jax.random.key(seed)
    ks = jax.random.split(key, 8)
    x = jax.random.normal(ks[0], (N, IN_DIM), dtype=jnp.float32)
    edge_index = jax.random.randint(ks[1], (2, E), 0, N, dtype=jnp.int32)
    W1 = jax.random.normal(ks[2], (IN_DIM, HID), dtype=jnp.float32) * 0.05
    b1 = jnp.zeros((HID,), dtype=jnp.float32)
    W2 = jax.random.normal(ks[3], (HID, HID), dtype=jnp.float32) * 0.05
    b2 = jnp.zeros((HID,), dtype=jnp.float32)
    Wl = jax.random.normal(ks[4], (HID, 1), dtype=jnp.float32) * 0.05
    bl = jnp.zeros((1,), dtype=jnp.float32)
    return {"x": x, "edge_index": edge_index, "W1": W1, "b1": b1, "W2": W2, "b2": b2, "Wl": Wl, "bl": bl}


def _gcn_conv(x, src, dst, W, b):
    # PyG GCNConv: x' = D^{-1/2} (A + I) D^{-1/2} (x W) + b
    n = x.shape[0]
    h = x @ W
    deg = jnp.zeros((n,), dtype=x.dtype).at[dst].add(1.0)
    dinv = jax.lax.rsqrt(jnp.maximum(deg, 1e-12))
    norm = dinv[src] * dinv[dst]
    msg = jnp.take(h, src, axis=0) * norm[:, None]
    out = jnp.zeros((n, W.shape[1]), dtype=x.dtype).at[dst].add(msg)
    return out + b


def reference(x, edge_index, W1, b1, W2, b2, Wl, bl):
    n = x.shape[0]
    loop = jnp.arange(n, dtype=edge_index.dtype)
    src = jnp.concatenate([edge_index[0], loop])
    dst = jnp.concatenate([edge_index[1], loop])
    h = _gcn_conv(x, src, dst, W1, b1)
    h = jax.nn.relu(h)
    h = _gcn_conv(h, src, dst, W2, b2)
    h = jax.nn.relu(h)
    logits = (h @ Wl + bl).squeeze(-1)
    return logits

if __name__ == "__main__":
    import jax
    _d = setup_inputs()
    print(jax.jit(kernel)(*tuple(_d.values())))

</pallas_src>

<mosaic_0001>
#map = affine_map<(d0, d1) -> (0, 0)>
#map1 = affine_map<(d0, d1) -> (0)>
#map2 = affine_map<(d0, d1) -> (0, 0, 0)>
module attributes {stable_mosaic.version = 14 : i64} {
  func.func @_sc_agg2(%arg0: i32, %arg1: i32, %arg2: memref<20480x128xf32, #tpu.memory_space<hbm>>, %arg3: memref<320000xi32, #tpu.memory_space<hbm>>, %arg4: memref<320000xi32, #tpu.memory_space<hbm>>, %arg5: memref<2x10240x128xf32, #tpu.memory_space<hbm>>, %arg6: memref<80xi32, #tpu.memory_space<vmem>>, %arg7: memref<1x80xi32, #tpu.memory_space<vmem>>, %arg8: memref<80x128xf32, #tpu.memory_space<vmem>>, %arg9: memref<40x128xf32, #tpu.memory_space<vmem>>, %arg10: memref<10240x128xf32, #tpu.memory_space<vmem_shared>>, %arg11: memref<!tpu.dma_semaphore, #tpu.memory_space<semaphore_mem>>) attributes {dimension_semantics = [#tpu.dimension_semantics<core_parallel>, #tpu.dimension_semantics<subcore_parallel>], iteration_bounds = array<i64: 2, 16>, scalar_prefetch = 0 : i64, scratch_operands = 6 : i64, tpu.core_type = #tpu.core_type<sc_vector_subcore>, window_params = [{transform_indices = #map}, {transform_indices = #map1}, {transform_indices = #map1}, {transform_indices = #map2}]} {
    %broadcast_in_dim3A = arith.constant 0.000000e+00 : f32
    %broadcast_in_dim3A_0 = vector.broadcast %broadcast_in_dim3A : f32 to vector<16xf32>
    %scan3A = arith.constant 0 : i32
    %scan3A_1 = arith.constant 0 : i32
    %scan3A_2 = arith.constant 40 : i32
    %scan3A_3 = arith.addi %scan3A_1, %scan3A_2 : i32
    %scan3A_4 = arith.constant 1 : i32
    scf.for %scan3A_26 = %scan3A_1 to %scan3A_3 step %scan3A_4  : i32 {
      %swap3A = arith.index_cast %scan3A_26 : i32 to index
      %swap3A_27 = arith.constant 0 : index
      %swap3A_28 = tpu.vector_load %arg9[%swap3A, %swap3A_27] {strides = array<i32>} : memref<40x128xf32, #tpu.memory_space<vmem>>, vector<16xf32>,
      tpu.vector_store %arg9[%swap3A, %swap3A_27], %broadcast_in_dim3A_0 {strides = array<i32>} : memref<40x128xf32, #tpu.memory_space<vmem>>, vector<16xf32>,
      %swap3A_29 = arith.index_cast %scan3A_26 : i32 to index
      %swap3A_30 = arith.constant 16 : index
      %swap3A_31 = tpu.vector_load %arg9[%swap3A_29, %swap3A_30] {strides = array<i32>} : memref<40x128xf32, #tpu.memory_space<vmem>>, vector<16xf32>,
      tpu.vector_store %arg9[%swap3A_29, %swap3A_30], %broadcast_in_dim3A_0 {strides = array<i32>} : memref<40x128xf32, #tpu.memory_space<vmem>>, vector<16xf32>,
      %swap3A_32 = arith.index_cast %scan3A_26 : i32 to index
      %swap3A_33 = arith.constant 32 : index
      %swap3A_34 = tpu.vector_load %arg9[%swap3A_32, %swap3A_33] {strides = array<i32>} : memref<40x128xf32, #tpu.memory_space<vmem>>, vector<16xf32>,
      tpu.vector_store %arg9[%swap3A_32, %swap3A_33], %broadcast_in_dim3A_0 {strides = array<i32>} : memref<40x128xf32, #tpu.memory_space<vmem>>, vector<16xf32>,
      %swap3A_35 = arith.index_cast %scan3A_26 : i32 to index
      %swap3A_36 = arith.constant 48 : index
      %swap3A_37 = tpu.vector_load %arg9[%swap3A_35, %swap3A_36] {strides = array<i32>} : memref<40x128xf32, #tpu.memory_space<vmem>>, vector<16xf32>,
      tpu.vector_store %arg9[%swap3A_35, %swap3A_36], %broadcast_in_dim3A_0 {strides = array<i32>} : memref<40x128xf32, #tpu.memory_space<vmem>>, vector<16xf32>,
      %swap3A_38 = arith.index_cast %scan3A_26 : i32 to index
      %swap3A_39 = arith.constant 64 : index
      %swap3A_40 = tpu.vector_load %arg9[%swap3A_38, %swap3A_39] {strides = array<i32>} : memref<40x128xf32, #tpu.memory_space<vmem>>, vector<16xf32>,
      tpu.vector_store %arg9[%swap3A_38, %swap3A_39], %broadcast_in_dim3A_0 {strides = array<i32>} : memref<40x128xf32, #tpu.memory_space<vmem>>, vector<16xf32>,
      %swap3A_41 = arith.index_cast %scan3A_26 : i32 to index
      %swap3A_42 = arith.constant 80 : index
      %swap3A_43 = tpu.vector_load %arg9[%swap3A_41, %swap3A_42] {strides = array<i32>} : memref<40x128xf32, #tpu.memory_space<vmem>>, vector<16xf32>,
      tpu.vector_store %arg9[%swap3A_41, %swap3A_42], %broadcast_in_dim3A_0 {strides = array<i32>} : memref<40x128xf32, #tpu.memory_space<vmem>>, vector<16xf32>,
      %swap3A_44 = arith.index_cast %scan3A_26 : i32 to index
      %swap3A_45 = arith.constant 96 : index
      %swap3A_46 = tpu.vector_load %arg9[%swap3A_44, %swap3A_45] {strides = array<i32>} : memref<40x128xf32, #tpu.memory_space<vmem>>, vector<16xf32>,
      tpu.vector_store %arg9[%swap3A_44, %swap3A_45], %broadcast_in_dim3A_0 {strides = array<i32>} : memref<40x128xf32, #tpu.memory_space<vmem>>, vector<16xf32>,
      %swap3A_47 = arith.index_cast %scan3A_26 : i32 to index
      %swap3A_48 = arith.constant 112 : index
      %swap3A_49 = tpu.vector_load %arg9[%swap3A_47, %swap3A_48] {strides = array<i32>} : memref<40x128xf32, #tpu.memory_space<vmem>>, vector<16xf32>,
      tpu.vector_store %arg9[%swap3A_47, %swap3A_48], %broadcast_in_dim3A_0 {strides = array<i32>} : memref<40x128xf32, #tpu.memory_space<vmem>>, vector<16xf32>,
    }
    %scan3A_5 = arith.constant 40 : i32
    %scan3A_6 = arith.constant 0 : i32
    %scan3A_7 = arith.constant 0 : i32
    %scan3A_8 = arith.constant 16 : i32
    %scan3A_9 = arith.addi %scan3A_7, %scan3A_8 : i32
    %scan3A_10 = arith.constant 1 : i32
    scf.for %scan3A_26 = %scan3A_7 to %scan3A_9 step %scan3A_10  : i32 {
      %mul3A_27 = arith.constant 640 : i32
      %mul3A_28 = arith.muli %arg1, %mul3A_27 : i32
      %mul3A_29 = arith.constant 40 : i32
      %mul3A_30 = arith.muli %scan3A_26, %mul3A_29 : i32
      %add3A = arith.addi %mul3A_28, %mul3A_30 : i32
      "tpu.region"() ({
        %run_scoped3A = tpu.sem_alloc : memref<!tpu.dma_semaphore, #tpu.memory_space<semaphore_mem>>
        %dma_start3A = arith.constant 0 : i32
        %dma_start3A_31 = tpu.memref_slice %arg10[%add3A, %dma_start3A] : memref<10240x128xf32, #tpu.memory_space<vmem_shared>> -> memref<40x128xf32, #tpu.memory_space<vmem_shared>>
        %dma_start3A_32 = arith.constant 0 : i32
        %dma_start3A_33 = tpu.memref_slice %arg10[%add3A, %dma_start3A_32] : memref<10240x128xf32, #tpu.memory_space<vmem_shared>> -> memref<40x128xf32, #tpu.memory_space<vmem_shared>>
        tpu.enqueue_dma source(%arg9 : memref<40x128xf32, #tpu.memory_space<vmem>>) target(%dma_start3A_33 : memref<40x128xf32, #tpu.memory_space<vmem_shared>>) target_semaphore(%run_scoped3A : memref<!tpu.dma_semaphore, #tpu.memory_space<semaphore_mem>>)
        %dma_wait3A = arith.constant 0 : i32
        %dma_wait3A_34 = tpu.memref_slice %arg10[%add3A, %dma_wait3A] : memref<10240x128xf32, #tpu.memory_space<vmem_shared>> -> memref<40x128xf32, #tpu.memory_space<vmem_shared>>
        %dma_wait3A_35 = arith.constant 0 : i32
        %dma_wait3A_36 = tpu.memref_slice %arg10[%add3A, %dma_wait3A_35] : memref<10240x128xf32, #tpu.memory_space<vmem_shared>> -> memref<40x128xf32, #tpu.memory_space<vmem_shared>>
        tpu.wait_dma2 semaphore(%run_scoped3A : memref<!tpu.dma_semaphore, #tpu.memory_space<semaphore_mem>>) src(%arg9 : memref<40x128xf32, #tpu.memory_space<vmem>>) dst(%dma_wait3A_36 : memref<40x128xf32, #tpu.memory_space<vmem_shared>>)
        tpu.yield
      }) : () -> ()
    }
    %scan3A_11 = arith.constant 16 : i32
    %barrier3A = arith.constant 0 : index
    tpu.barrier barrier_id(%barrier3A)
    %mul3A = arith.constant 20000 : i32
    %mul3A_12 = arith.muli %arg1, %mul3A : i32
    %mul3A_13 = arith.constant 10240 : i32
    %mul3A_14 = arith.muli %arg0, %mul3A_13 : i32
    %scan3A_15 = arith.constant 0 : i32
    %scan3A_16 = arith.constant 0 : i32
    %scan3A_17 = arith.constant 250 : i32
    %scan3A_18 = arith.addi %scan3A_16, %scan3A_17 : i32
    %scan3A_19 = arith.constant 1 : i32
    scf.for %scan3A_26 = %scan3A_16 to %scan3A_18 step %scan3A_19  : i32 {
      %mul3A_27 = arith.constant 80 : i32
      %mul3A_28 = arith.muli %scan3A_26, %mul3A_27 : i32
      %add3A = arith.addi %mul3A_12, %mul3A_28 : i32
      "tpu.region"() ({
        %run_scoped3A_62 = tpu.sem_alloc : memref<!tpu.dma_semaphore, #tpu.memory_space<semaphore_mem>>
        %dma_start3A_63 = tpu.memref_slice %arg3[%add3A] : memref<320000xi32, #tpu.memory_space<hbm>> -> memref<80xi32, #tpu.memory_space<hbm>>
        %dma_start3A_64 = tpu.memref_slice %arg3[%add3A] : memref<320000xi32, #tpu.memory_space<hbm>> -> memref<80xi32, #tpu.memory_space<hbm>>
        tpu.enqueue_dma source(%dma_start3A_64 : memref<80xi32, #tpu.memory_space<hbm>>) target(%arg6 : memref<80xi32, #tpu.memory_space<vmem>>) target_semaphore(%run_scoped3A_62 : memref<!tpu.dma_semaphore, #tpu.memory_space<semaphore_mem>>)
        %dma_wait3A_65 = tpu.memref_slice %arg3[%add3A] : memref<320000xi32, #tpu.memory_space<hbm>> -> memref<80xi32, #tpu.memory_space<hbm>>
        %dma_wait3A_66 = tpu.memref_slice %arg3[%add3A] : memref<320000xi32, #tpu.memory_space<hbm>> -> memref<80xi32, #tpu.memory_space<hbm>>
        tpu.wait_dma2 semaphore(%run_scoped3A_62 : memref<!tpu.dma_semaphore, #tpu.memory_space<semaphore_mem>>) src(%dma_wait3A_66 : memref<80xi32, #tpu.memory_space<hbm>>) dst(%arg6 : memref<80xi32, #tpu.memory_space<vmem>>)
        tpu.yield
      }) : () -> ()
      %run_scoped3A = arith.constant 0 : i32
      "tpu.region"() ({
        %run_scoped3A_62 = tpu.sem_alloc : memref<!tpu.dma_semaphore, #tpu.memory_space<semaphore_mem>>
        %dma_start3A_63 = arith.constant 0 : i32
        %dma_start3A_64 = tpu.memref_slice %arg7[%run_scoped3A, %dma_start3A_63] : memref<1x80xi32, #tpu.memory_space<vmem>> -> memref<1x80xi32, #tpu.memory_space<vmem>>
        %dma_start3A_65 = tpu.memref_squeeze %dma_start3A_64 : memref<1x80xi32, #tpu.memory_space<vmem>> -> memref<80xi32, #tpu.memory_space<vmem>>
        %dma_start3A_66 = tpu.memref_slice %arg4[%add3A] : memref<320000xi32, #tpu.memory_space<hbm>> -> memref<80xi32, #tpu.memory_space<hbm>>
        %dma_start3A_67 = arith.constant 0 : i32
        %dma_start3A_68 = tpu.memref_slice %arg7[%run_scoped3A, %dma_start3A_67] : memref<1x80xi32, #tpu.memory_space<vmem>> -> memref<1x80xi32, #tpu.memory_space<vmem>>
        %dma_start3A_69 = tpu.memref_squeeze %dma_start3A_68 : memref<1x80xi32, #tpu.memory_space<vmem>> -> memref<80xi32, #tpu.memory_space<vmem>>
        %dma_start3A_70 = tpu.memref_slice %arg4[%add3A] : memref<320000xi32, #tpu.memory_space<hbm>> -> memref<80xi32, #tpu.memory_space<hbm>>
        tpu.enqueue_dma source(%dma_start3A_70 : memref<80xi32, #tpu.memory_space<hbm>>) target(%dma_start3A_69 : memref<80xi32, #tpu.memory_space<vmem>>) target_semaphore(%run_scoped3A_62 : memref<!tpu.dma_semaphore, #tpu.memory_space<semaphore_mem>>)
        %dma_wait3A_71 = arith.constant 0 : i32
        %dma_wait3A_72 = tpu.memref_slice %arg7[%run_scoped3A, %dma_wait3A_71] : memref<1x80xi32, #tpu.memory_space<vmem>> -> memref<1x80xi32, #tpu.memory_space<vmem>>
        %dma_wait3A_73 = tpu.memref_squeeze %dma_wait3A_72 : memref<1x80xi32, #tpu.memory_space<vmem>> -> memref<80xi32, #tpu.memory_space<vmem>>
        %dma_wait3A_74 = tpu.memref_slice %arg4[%add3A] : memref<320000xi32, #tpu.memory_space<hbm>> -> memref<80xi32, #tpu.memory_space<hbm>>
        %dma_wait3A_75 = arith.constant 0 : i32
        %dma_wait3A_76 = tpu.memref_slice %arg7[%run_scoped3A, %dma_wait3A_75] : memref<1x80xi32, #tpu.memory_space<vmem>> -> memref<1x80xi32, #tpu.memory_space<vmem>>
        %dma_wait3A_77 = tpu.memref_squeeze %dma_wait3A_76 : memref<1x80xi32, #tpu.memory_space<vmem>> -> memref<80xi32, #tpu.memory_space<vmem>>
        %dma_wait3A_78 = tpu.memref_slice %arg4[%add3A] : memref<320000xi32, #tpu.memory_space<hbm>> -> memref<80xi32, #tpu.memory_space<hbm>>
        tpu.wait_dma2 semaphore(%run_scoped3A_62 : memref<!tpu.dma_semaphore, #tpu.memory_space<semaphore_mem>>) src(%dma_wait3A_78 : memref<80xi32, #tpu.memory_space<hbm>>) dst(%dma_wait3A_77 : memref<80xi32, #tpu.memory_space<vmem>>)
        tpu.yield
      }) : () -> ()
      %get3A = arith.constant 0 : index
      %get3A_29 = tpu.vector_load %arg6[%get3A] {strides = array<i32>} : memref<80xi32, #tpu.memory_space<vmem>>, vector<16xi32>,
      %add3A_30 = vector.broadcast %mul3A_14 : i32 to vector<16xi32>
      %add3A_31 = arith.addi %get3A_29, %add3A_30 : vector<16xi32>
      %swap3A = arith.constant 0 : index
      %swap3A_32 = tpu.vector_load %arg6[%swap3A] {strides = array<i32>} : memref<80xi32, #tpu.memory_space<vmem>>, vector<16xi32>,
      tpu.vector_store %arg6[%swap3A], %add3A_31 {strides = array<i32>} : memref<80xi32, #tpu.memory_space<vmem>>, vector<16xi32>,
      %get3A_33 = arith.constant 16 : index
      %get3A_34 = tpu.vector_load %arg6[%get3A_33] {strides = array<i32>} : memref<80xi32, #tpu.memory_space<vmem>>, vector<16xi32>,
      %add3A_35 = vector.broadcast %mul3A_14 : i32 to vector<16xi32>
      %add3A_36 = arith.addi %get3A_34, %add3A_35 : vector<16xi32>
      %swap3A_37 = arith.constant 16 : index
      %swap3A_38 = tpu.vector_load %arg6[%swap3A_37] {strides = array<i32>} : memref<80xi32, #tpu.memory_space<vmem>>, vector<16xi32>,
      tpu.vector_store %arg6[%swap3A_37], %add3A_36 {strides = array<i32>} : memref<80xi32, #tpu.memory_space<vmem>>, vector<16xi32>,
      %get3A_39 = arith.constant 32 : index
      %get3A_40 = tpu.vector_load %arg6[%get3A_39] {strides = array<i32>} : memref<80xi32, #tpu.memory_space<vmem>>, vector<16xi32>,
      %add3A_41 = vector.broadcast %mul3A_14 : i32 to vector<16xi32>
      %add3A_42 = arith.addi %get3A_40, %add3A_41 : vector<16xi32>
      %swap3A_43 = arith.constant 32 : index
      %swap3A_44 = tpu.vector_load %arg6[%swap3A_43] {strides = array<i32>} : memref<80xi32, #tpu.memory_space<vmem>>, vector<16xi32>,
      tpu.vector_store %arg6[%swap3A_43], %add3A_42 {strides = array<i32>} : memref<80xi32, #tpu.memory_space<vmem>>, vector<16xi32>,
      %get3A_45 = arith.constant 48 : index
      %get3A_46 = tpu.vector_load %arg6[%get3A_45] {strides = array<i32>} : memref<80xi32, #tpu.memory_space<vmem>>, vector<16xi32>,
      %add3A_47 = vector.broadcast %mul3A_14 : i32 to vector<16xi32>
      %add3A_48 = arith.addi %get3A_46, %add3A_47 : vector<16xi32>
      %swap3A_49 = arith.constant 48 : index
      %swap3A_50 = tpu.vector_load %arg6[%swap3A_49] {strides = array<i32>} : memref<80xi32, #tpu.memory_space<vmem>>, vector<16xi32>,
      tpu.vector_store %arg6[%swap3A_49], %add3A_48 {strides = array<i32>} : memref<80xi32, #tpu.memory_space<vmem>>, vector<16xi32>,
      %get3A_51 = arith.constant 64 : index
      %get3A_52 = tpu.vector_load %arg6[%get3A_51] {strides = array<i32>} : memref<80xi32, #tpu.memory_space<vmem>>, vector<16xi32>,
      %add3A_53 = vector.broadcast %mul3A_14 : i32 to vector<16xi32>
      %add3A_54 = arith.addi %get3A_52, %add3A_53 : vector<16xi32>
      %swap3A_55 = arith.constant 64 : index
      %swap3A_56 = tpu.vector_load %arg6[%swap3A_55] {strides = array<i32>} : memref<80xi32, #tpu.memory_space<vmem>>, vector<16xi32>,
      tpu.vector_store %arg6[%swap3A_55], %add3A_54 {strides = array<i32>} : memref<80xi32, #tpu.memory_space<vmem>>, vector<16xi32>,
      %dma_start3A = arith.constant 0 : i32
      %dma_start3A_57 = arith.constant 0 : i32
      %dma_start3A_58 = tpu.memref_slice %arg2[%dma_start3A, %dma_start3A_57] : memref<20480x128xf32, #tpu.memory_space<hbm>> -> memref<20480x128xf32, #tpu.memory_space<hbm>>
      tpu.enqueue_indirect_dma source(%dma_start3A_58 : memref<20480x128xf32, #tpu.memory_space<hbm>>) target(%arg8 : memref<80x128xf32, #tpu.memory_space<vmem>>) offsets(%arg6 : memref<80xi32, #tpu.memory_space<vmem>>) semaphore(%arg11 : memref<!tpu.dma_semaphore, #tpu.memory_space<semaphore_mem>>)
      %dma_wait3A = arith.constant 0 : i32
      %dma_wait3A_59 = arith.constant 0 : i32
      %dma_wait3A_60 = tpu.memref_slice %arg2[%dma_wait3A, %dma_wait3A_59] : memref<20480x128xf32, #tpu.memory_space<hbm>> -> memref<20480x128xf32, #tpu.memory_space<hbm>>
      tpu.wait_indirect_dma semaphore(%arg11 : memref<!tpu.dma_semaphore, #tpu.memory_space<semaphore_mem>>) src(%dma_wait3A_60 : memref<20480x128xf32, #tpu.memory_space<hbm>>) dst(%arg8 : memref<80x128xf32, #tpu.memory_space<vmem>>)
      %run_scoped3A_61 = arith.constant 0 : i32
      "tpu.region"() ({
        %run_scoped3A_62 = tpu.sem_alloc : memref<!tpu.dma_semaphore, #tpu.memory_space<semaphore_mem>>
        %dma_start3A_63 = arith.constant 0 : i32
        %dma_start3A_64 = tpu.memref_slice %arg7[%run_scoped3A_61, %dma_start3A_63] : memref<1x80xi32, #tpu.memory_space<vmem>> -> memref<1x80xi32, #tpu.memory_space<vmem>>
        %dma_start3A_65 = tpu.memref_squeeze %dma_start3A_64 : memref<1x80xi32, #tpu.memory_space<vmem>> -> memref<80xi32, #tpu.memory_space<vmem>>
        %dma_start3A_66 = arith.constant 0 : i32
        %dma_start3A_67 = arith.constant 0 : i32
        %dma_start3A_68 = tpu.memref_slice %arg10[%dma_start3A_66, %dma_start3A_67] : memref<10240x128xf32, #tpu.memory_space<vmem_shared>> -> memref<10240x128xf32, #tpu.memory_space<vmem_shared>>
        tpu.enqueue_indirect_dma source(%arg8 : memref<80x128xf32, #tpu.memory_space<vmem>>) target(%dma_start3A_68 : memref<10240x128xf32, #tpu.memory_space<vmem_shared>>) offsets(%dma_start3A_65 : memref<80xi32, #tpu.memory_space<vmem>>) semaphore(%run_scoped3A_62 : memref<!tpu.dma_semaphore, #tpu.memory_space<semaphore_mem>>) {add = true}
        %dma_wait3A_69 = arith.constant 0 : i32
        %dma_wait3A_70 = tpu.memref_slice %arg7[%run_scoped3A_61, %dma_wait3A_69] : memref<1x80xi32, #tpu.memory_space<vmem>> -> memref<1x80xi32, #tpu.memory_space<vmem>>
        %dma_wait3A_71 = tpu.memref_squeeze %dma_wait3A_70 : memref<1x80xi32, #tpu.memory_space<vmem>> -> memref<80xi32, #tpu.memory_space<vmem>>
        %dma_wait3A_72 = arith.constant 0 : i32
        %dma_wait3A_73 = arith.constant 0 : i32
        %dma_wait3A_74 = tpu.memref_slice %arg10[%dma_wait3A_72, %dma_wait3A_73] : memref<10240x128xf32, #tpu.memory_space<vmem_shared>> -> memref<10240x128xf32, #tpu.memory_space<vmem_shared>>
        tpu.wait_indirect_dma semaphore(%run_scoped3A_62 : memref<!tpu.dma_semaphore, #tpu.memory_space<semaphore_mem>>) src(%arg8 : memref<80x128xf32, #tpu.memory_space<vmem>>) dst(%dma_wait3A_74 : memref<10240x128xf32, #tpu.memory_space<vmem_shared>>)
        tpu.yield
      }) : () -> ()
    }
    %scan3A_20 = arith.constant 250 : i32
    %barrier3A_21 = arith.constant 0 : index
    tpu.barrier barrier_id(%barrier3A_21)
    %mul3A_22 = arith.constant 640 : i32
    %mul3A_23 = arith.muli %arg1, %mul3A_22 : i32
    %mul3A_24 = arith.constant 640 : i32
    %mul3A_25 = arith.muli %arg1, %mul3A_24 : i32
    "tpu.region"() ({
      %run_scoped3A = tpu.sem_alloc : memref<!tpu.dma_semaphore, #tpu.memory_space<semaphore_mem>>
      %dma_start3A = arith.constant 0 : i32
      %dma_start3A_26 = tpu.memref_slice %arg5[%arg0, %mul3A_25, %dma_start3A] : memref<2x10240x128xf32, #tpu.memory_space<hbm>> -> memref<1x640x128xf32, #tpu.memory_space<hbm>>
      %dma_start3A_27 = tpu.memref_squeeze %dma_start3A_26 : memref<1x640x128xf32, #tpu.memory_space<hbm>> -> memref<640x128xf32, #tpu.memory_space<hbm>>
      %dma_start3A_28 = arith.constant 0 : i32
      %dma_start3A_29 = tpu.memref_slice %arg10[%mul3A_23, %dma_start3A_28] : memref<10240x128xf32, #tpu.memory_space<vmem_shared>> -> memref<640x128xf32, #tpu.memory_space<vmem_shared>>
      tpu.enqueue_dma source(%dma_start3A_29 : memref<640x128xf32, #tpu.memory_space<vmem_shared>>) target(%dma_start3A_27 : memref<640x128xf32, #tpu.memory_space<hbm>>) target_semaphore(%run_scoped3A : memref<!tpu.dma_semaphore, #tpu.memory_space<semaphore_mem>>)
      %dma_wait3A = arith.constant 0 : i32
      %dma_wait3A_30 = tpu.memref_slice %arg5[%arg0, %mul3A_25, %dma_wait3A] : memref<2x10240x128xf32, #tpu.memory_space<hbm>> -> memref<1x640x128xf32, #tpu.memory_space<hbm>>
      %dma_wait3A_31 = tpu.memref_squeeze %dma_wait3A_30 : memref<1x640x128xf32, #tpu.memory_space<hbm>> -> memref<640x128xf32, #tpu.memory_space<hbm>>
      %dma_wait3A_32 = arith.constant 0 : i32
      %dma_wait3A_33 = tpu.memref_slice %arg10[%mul3A_23, %dma_wait3A_32] : memref<10240x128xf32, #tpu.memory_space<vmem_shared>> -> memref<640x128xf32, #tpu.memory_space<vmem_shared>>
      tpu.wait_dma2 semaphore(%run_scoped3A : memref<!tpu.dma_semaphore, #tpu.memory_space<semaphore_mem>>) src(%dma_wait3A_33 : memref<640x128xf32, #tpu.memory_space<vmem_shared>>) dst(%dma_wait3A_31 : memref<640x128xf32, #tpu.memory_space<hbm>>)
      tpu.yield
    }) : () -> ()
    return
  }
}

#map = affine_map<(d0, d1) -> (0, 0)>
#map1 = affine_map<(d0, d1) -> (0)>
#map2 = affine_map<(d0, d1) -> (0, 0, 0)>
module attributes {stable_mosaic.version = 14 : i64} {
  func.func @_sc_agg1(%arg0: i32, %arg1: i32, %arg2: memref<10240x128xf32, #tpu.memory_space<hbm>>, %arg3: memref<320000xi32, #tpu.memory_space<hbm>>, %arg4: memref<320000xi32, #tpu.memory_space<hbm>>, %arg5: memref<2x10240x128xf32, #tpu.memory_space<hbm>>, %arg6: memref<80xi32, #tpu.memory_space<vmem>>, %arg7: memref<1x80xi32, #tpu.memory_space<vmem>>, %arg8: memref<80x128xf32, #tpu.memory_space<vmem>>, %arg9: memref<40x128xf32, #tpu.memory_space<vmem>>, %arg10: memref<10240x128xf32, #tpu.memory_space<vmem_shared>>, %arg11: memref<!tpu.dma_semaphore, #tpu.memory_space<semaphore_mem>>) attributes {dimension_semantics = [#tpu.dimension_semantics<core_parallel>, #tpu.dimension_semantics<subcore_parallel>], iteration_bounds = array<i64: 2, 16>, scalar_prefetch = 0 : i64, scratch_operands = 6 : i64, tpu.core_type = #tpu.core_type<sc_vector_subcore>, window_params = [{transform_indices = #map}, {transform_indices = #map1}, {transform_indices = #map1}, {transform_indices = #map2}]} {
    %broadcast_in_dim3A = arith.constant 0.000000e+00 : f32
    %broadcast_in_dim3A_0 = vector.broadcast %broadcast_in_dim3A : f32 to vector<16xf32>
    %scan3A = arith.constant 0 : i32
    %scan3A_1 = arith.constant 0 : i32
    %scan3A_2 = arith.constant 40 : i32
    %scan3A_3 = arith.addi %scan3A_1, %scan3A_2 : i32
    %scan3A_4 = arith.constant 1 : i32
    scf.for %scan3A_26 = %scan3A_1 to %scan3A_3 step %scan3A_4  : i32 {
      %swap3A = arith.index_cast %scan3A_26 : i32 to index
      %swap3A_27 = arith.constant 0 : index
      %swap3A_28 = tpu.vector_load %arg9[%swap3A, %swap3A_27] {strides = array<i32>} : memref<40x128xf32, #tpu.memory_space<vmem>>, vector<16xf32>,
      tpu.vector_store %arg9[%swap3A, %swap3A_27], %broadcast_in_dim3A_0 {strides = array<i32>} : memref<40x128xf32, #tpu.memory_space<vmem>>, vector<16xf32>,
      %swap3A_29 = arith.index_cast %scan3A_26 : i32 to index
      %swap3A_30 = arith.constant 16 : index
      %swap3A_31 = tpu.vector_load %arg9[%swap3A_29, %swap3A_30] {strides = array<i32>} : memref<40x128xf32, #tpu.memory_space<vmem>>, vector<16xf32>,
      tpu.vector_store %arg9[%swap3A_29, %swap3A_30], %broadcast_in_dim3A_0 {strides = array<i32>} : memref<40x128xf32, #tpu.memory_space<vmem>>, vector<16xf32>,
      %swap3A_32 = arith.index_cast %scan3A_26 : i32 to index
      %swap3A_33 = arith.constant 32 : index
      %swap3A_34 = tpu.vector_load %arg9[%swap3A_32, %swap3A_33] {strides = array<i32>} : memref<40x128xf32, #tpu.memory_space<vmem>>, vector<16xf32>,
      tpu.vector_store %arg9[%swap3A_32, %swap3A_33], %broadcast_in_dim3A_0 {strides = array<i32>} : memref<40x128xf32, #tpu.memory_space<vmem>>, vector<16xf32>,
      %swap3A_35 = arith.index_cast %scan3A_26 : i32 to index
      %swap3A_36 = arith.constant 48 : index
      %swap3A_37 = tpu.vector_load %arg9[%swap3A_35, %swap3A_36] {strides = array<i32>} : memref<40x128xf32, #tpu.memory_space<vmem>>, vector<16xf32>,
      tpu.vector_store %arg9[%swap3A_35, %swap3A_36], %broadcast_in_dim3A_0 {strides = array<i32>} : memref<40x128xf32, #tpu.memory_space<vmem>>, vector<16xf32>,
      %swap3A_38 = arith.index_cast %scan3A_26 : i32 to index
      %swap3A_39 = arith.constant 64 : index
      %swap3A_40 = tpu.vector_load %arg9[%swap3A_38, %swap3A_39] {strides = array<i32>} : memref<40x128xf32, #tpu.memory_space<vmem>>, vector<16xf32>,
      tpu.vector_store %arg9[%swap3A_38, %swap3A_39], %broadcast_in_dim3A_0 {strides = array<i32>} : memref<40x128xf32, #tpu.memory_space<vmem>>, vector<16xf32>,
      %swap3A_41 = arith.index_cast %scan3A_26 : i32 to index
      %swap3A_42 = arith.constant 80 : index
      %swap3A_43 = tpu.vector_load %arg9[%swap3A_41, %swap3A_42] {strides = array<i32>} : memref<40x128xf32, #tpu.memory_space<vmem>>, vector<16xf32>,
      tpu.vector_store %arg9[%swap3A_41, %swap3A_42], %broadcast_in_dim3A_0 {strides = array<i32>} : memref<40x128xf32, #tpu.memory_space<vmem>>, vector<16xf32>,
      %swap3A_44 = arith.index_cast %scan3A_26 : i32 to index
      %swap3A_45 = arith.constant 96 : index
      %swap3A_46 = tpu.vector_load %arg9[%swap3A_44, %swap3A_45] {strides = array<i32>} : memref<40x128xf32, #tpu.memory_space<vmem>>, vector<16xf32>,
      tpu.vector_store %arg9[%swap3A_44, %swap3A_45], %broadcast_in_dim3A_0 {strides = array<i32>} : memref<40x128xf32, #tpu.memory_space<vmem>>, vector<16xf32>,
      %swap3A_47 = arith.index_cast %scan3A_26 : i32 to index
      %swap3A_48 = arith.constant 112 : index
      %swap3A_49 = tpu.vector_load %arg9[%swap3A_47, %swap3A_48] {strides = array<i32>} : memref<40x128xf32, #tpu.memory_space<vmem>>, vector<16xf32>,
      tpu.vector_store %arg9[%swap3A_47, %swap3A_48], %broadcast_in_dim3A_0 {strides = array<i32>} : memref<40x128xf32, #tpu.memory_space<vmem>>, vector<16xf32>,
    }
    %scan3A_5 = arith.constant 40 : i32
    %scan3A_6 = arith.constant 0 : i32
    %scan3A_7 = arith.constant 0 : i32
    %scan3A_8 = arith.constant 16 : i32
    %scan3A_9 = arith.addi %scan3A_7, %scan3A_8 : i32
    %scan3A_10 = arith.constant 1 : i32
    scf.for %scan3A_26 = %scan3A_7 to %scan3A_9 step %scan3A_10  : i32 {
      %mul3A_27 = arith.constant 640 : i32
      %mul3A_28 = arith.muli %arg1, %mul3A_27 : i32
      %mul3A_29 = arith.constant 40 : i32
      %mul3A_30 = arith.muli %scan3A_26, %mul3A_29 : i32
      %add3A_31 = arith.addi %mul3A_28, %mul3A_30 : i32
      "tpu.region"() ({
        %run_scoped3A = tpu.sem_alloc : memref<!tpu.dma_semaphore, #tpu.memory_space<semaphore_mem>>
        %dma_start3A = arith.constant 0 : i32
        %dma_start3A_32 = tpu.memref_slice %arg10[%add3A_31, %dma_start3A] : memref<10240x128xf32, #tpu.memory_space<vmem_shared>> -> memref<40x128xf32, #tpu.memory_space<vmem_shared>>
        %dma_start3A_33 = arith.constant 0 : i32
        %dma_start3A_34 = tpu.memref_slice %arg10[%add3A_31, %dma_start3A_33] : memref<10240x128xf32, #tpu.memory_space<vmem_shared>> -> memref<40x128xf32, #tpu.memory_space<vmem_shared>>
        tpu.enqueue_dma source(%arg9 : memref<40x128xf32, #tpu.memory_space<vmem>>) target(%dma_start3A_34 : memref<40x128xf32, #tpu.memory_space<vmem_shared>>) target_semaphore(%run_scoped3A : memref<!tpu.dma_semaphore, #tpu.memory_space<semaphore_mem>>)
        %dma_wait3A = arith.constant 0 : i32
        %dma_wait3A_35 = tpu.memref_slice %arg10[%add3A_31, %dma_wait3A] : memref<10240x128xf32, #tpu.memory_space<vmem_shared>> -> memref<40x128xf32, #tpu.memory_space<vmem_shared>>
        %dma_wait3A_36 = arith.constant 0 : i32
        %dma_wait3A_37 = tpu.memref_slice %arg10[%add3A_31, %dma_wait3A_36] : memref<10240x128xf32, #tpu.memory_space<vmem_shared>> -> memref<40x128xf32, #tpu.memory_space<vmem_shared>>
        tpu.wait_dma2 semaphore(%run_scoped3A : memref<!tpu.dma_semaphore, #tpu.memory_space<semaphore_mem>>) src(%arg9 : memref<40x128xf32, #tpu.memory_space<vmem>>) dst(%dma_wait3A_37 : memref<40x128xf32, #tpu.memory_space<vmem_shared>>)
        tpu.yield
      }) : () -> ()
    }
    %scan3A_11 = arith.constant 16 : i32
    %barrier3A = arith.constant 0 : index
    tpu.barrier barrier_id(%barrier3A)
    %mul3A = arith.constant 16 : i32
    %mul3A_12 = arith.muli %arg0, %mul3A : i32
    %add3A = arith.addi %mul3A_12, %arg1 : i32
    %mul3A_13 = arith.constant 10000 : i32
    %mul3A_14 = arith.muli %add3A, %mul3A_13 : i32
    %scan3A_15 = arith.constant 0 : i32
    %scan3A_16 = arith.constant 0 : i32
    %scan3A_17 = arith.constant 125 : i32
    %scan3A_18 = arith.addi %scan3A_16, %scan3A_17 : i32
    %scan3A_19 = arith.constant 1 : i32
    scf.for %scan3A_26 = %scan3A_16 to %scan3A_18 step %scan3A_19  : i32 {
      %mul3A_27 = arith.constant 80 : i32
      %mul3A_28 = arith.muli %scan3A_26, %mul3A_27 : i32
      %add3A_29 = arith.addi %mul3A_14, %mul3A_28 : i32
      "tpu.region"() ({
        %run_scoped3A_35 = tpu.sem_alloc : memref<!tpu.dma_semaphore, #tpu.memory_space<semaphore_mem>>
        %dma_start3A_36 = tpu.memref_slice %arg3[%add3A_29] : memref<320000xi32, #tpu.memory_space<hbm>> -> memref<80xi32, #tpu.memory_space<hbm>>
        %dma_start3A_37 = tpu.memref_slice %arg3[%add3A_29] : memref<320000xi32, #tpu.memory_space<hbm>> -> memref<80xi32, #tpu.memory_space<hbm>>
        tpu.enqueue_dma source(%dma_start3A_37 : memref<80xi32, #tpu.memory_space<hbm>>) target(%arg6 : memref<80xi32, #tpu.memory_space<vmem>>) target_semaphore(%run_scoped3A_35 : memref<!tpu.dma_semaphore, #tpu.memory_space<semaphore_mem>>)
        %dma_wait3A_38 = tpu.memref_slice %arg3[%add3A_29] : memref<320000xi32, #tpu.memory_space<hbm>> -> memref<80xi32, #tpu.memory_space<hbm>>
        %dma_wait3A_39 = tpu.memref_slice %arg3[%add3A_29] : memref<320000xi32, #tpu.memory_space<hbm>> -> memref<80xi32, #tpu.memory_space<hbm>>
        tpu.wait_dma2 semaphore(%run_scoped3A_35 : memref<!tpu.dma_semaphore, #tpu.memory_space<semaphore_mem>>) src(%dma_wait3A_39 : memref<80xi32, #tpu.memory_space<hbm>>) dst(%arg6 : memref<80xi32, #tpu.memory_space<vmem>>)
        tpu.yield
      }) : () -> ()
      %run_scoped3A = arith.constant 0 : i32
      "tpu.region"() ({
        %run_scoped3A_35 = tpu.sem_alloc : memref<!tpu.dma_semaphore, #tpu.memory_space<semaphore_mem>>
        %dma_start3A_36 = arith.constant 0 : i32
        %dma_start3A_37 = tpu.memref_slice %arg7[%run_scoped3A, %dma_start3A_36] : memref<1x80xi32, #tpu.memory_space<vmem>> -> memref<1x80xi32, #tpu.memory_space<vmem>>
        %dma_start3A_38 = tpu.memref_squeeze %dma_start3A_37 : memref<1x80xi32, #tpu.memory_space<vmem>> -> memref<80xi32, #tpu.memory_space<vmem>>
        %dma_start3A_39 = tpu.memref_slice %arg4[%add3A_29] : memref<320000xi32, #tpu.memory_space<hbm>> -> memref<80xi32, #tpu.memory_space<hbm>>
        %dma_start3A_40 = arith.constant 0 : i32
        %dma_start3A_41 = tpu.memref_slice %arg7[%run_scoped3A, %dma_start3A_40] : memref<1x80xi32, #tpu.memory_space<vmem>> -> memref<1x80xi32, #tpu.memory_space<vmem>>
        %dma_start3A_42 = tpu.memref_squeeze %dma_start3A_41 : memref<1x80xi32, #tpu.memory_space<vmem>> -> memref<80xi32, #tpu.memory_space<vmem>>
        %dma_start3A_43 = tpu.memref_slice %arg4[%add3A_29] : memref<320000xi32, #tpu.memory_space<hbm>> -> memref<80xi32, #tpu.memory_space<hbm>>
        tpu.enqueue_dma source(%dma_start3A_43 : memref<80xi32, #tpu.memory_space<hbm>>) target(%dma_start3A_42 : memref<80xi32, #tpu.memory_space<vmem>>) target_semaphore(%run_scoped3A_35 : memref<!tpu.dma_semaphore, #tpu.memory_space<semaphore_mem>>)
        %dma_wait3A_44 = arith.constant 0 : i32
        %dma_wait3A_45 = tpu.memref_slice %arg7[%run_scoped3A, %dma_wait3A_44] : memref<1x80xi32, #tpu.memory_space<vmem>> -> memref<1x80xi32, #tpu.memory_space<vmem>>
        %dma_wait3A_46 = tpu.memref_squeeze %dma_wait3A_45 : memref<1x80xi32, #tpu.memory_space<vmem>> -> memref<80xi32, #tpu.memory_space<vmem>>
        %dma_wait3A_47 = tpu.memref_slice %arg4[%add3A_29] : memref<320000xi32, #tpu.memory_space<hbm>> -> memref<80xi32, #tpu.memory_space<hbm>>
        %dma_wait3A_48 = arith.constant 0 : i32
        %dma_wait3A_49 = tpu.memref_slice %arg7[%run_scoped3A, %dma_wait3A_48] : memref<1x80xi32, #tpu.memory_space<vmem>> -> memref<1x80xi32, #tpu.memory_space<vmem>>
        %dma_wait3A_50 = tpu.memref_squeeze %dma_wait3A_49 : memref<1x80xi32, #tpu.memory_space<vmem>> -> memref<80xi32, #tpu.memory_space<vmem>>
        %dma_wait3A_51 = tpu.memref_slice %arg4[%add3A_29] : memref<320000xi32, #tpu.memory_space<hbm>> -> memref<80xi32, #tpu.memory_space<hbm>>
        tpu.wait_dma2 semaphore(%run_scoped3A_35 : memref<!tpu.dma_semaphore, #tpu.memory_space<semaphore_mem>>) src(%dma_wait3A_51 : memref<80xi32, #tpu.memory_space<hbm>>) dst(%dma_wait3A_50 : memref<80xi32, #tpu.memory_space<vmem>>)
        tpu.yield
      }) : () -> ()
      %dma_start3A = arith.constant 0 : i32
      %dma_start3A_30 = arith.constant 0 : i32
      %dma_start3A_31 = tpu.memref_slice %arg2[%dma_start3A, %dma_start3A_30] : memref<10240x128xf32, #tpu.memory_space<hbm>> -> memref<10240x128xf32, #tpu.memory_space<hbm>>
      tpu.enqueue_indirect_dma source(%dma_start3A_31 : memref<10240x128xf32, #tpu.memory_space<hbm>>) target(%arg8 : memref<80x128xf32, #tpu.memory_space<vmem>>) offsets(%arg6 : memref<80xi32, #tpu.memory_space<vmem>>) semaphore(%arg11 : memref<!tpu.dma_semaphore, #tpu.memory_space<semaphore_mem>>)
      %dma_wait3A = arith.constant 0 : i32
      %dma_wait3A_32 = arith.constant 0 : i32
      %dma_wait3A_33 = tpu.memref_slice %arg2[%dma_wait3A, %dma_wait3A_32] : memref<10240x128xf32, #tpu.memory_space<hbm>> -> memref<10240x128xf32, #tpu.memory_space<hbm>>
      tpu.wait_indirect_dma semaphore(%arg11 : memref<!tpu.dma_semaphore, #tpu.memory_space<semaphore_mem>>) src(%dma_wait3A_33 : memref<10240x128xf32, #tpu.memory_space<hbm>>) dst(%arg8 : memref<80x128xf32, #tpu.memory_space<vmem>>)
      %run_scoped3A_34 = arith.constant 0 : i32
      "tpu.region"() ({
        %run_scoped3A_35 = tpu.sem_alloc : memref<!tpu.dma_semaphore, #tpu.memory_space<semaphore_mem>>
        %dma_start3A_36 = arith.constant 0 : i32
        %dma_start3A_37 = tpu.memref_slice %arg7[%run_scoped3A_34, %dma_start3A_36] : memref<1x80xi32, #tpu.memory_space<vmem>> -> memref<1x80xi32, #tpu.memory_space<vmem>>
        %dma_start3A_38 = tpu.memref_squeeze %dma_start3A_37 : memref<1x80xi32, #tpu.memory_space<vmem>> -> memref<80xi32, #tpu.memory_space<vmem>>
        %dma_start3A_39 = arith.constant 0 : i32
        %dma_start3A_40 = arith.constant 0 : i32
        %dma_start3A_41 = tpu.memref_slice %arg10[%dma_start3A_39, %dma_start3A_40] : memref<10240x128xf32, #tpu.memory_space<vmem_shared>> -> memref<10240x128xf32, #tpu.memory_space<vmem_shared>>
        tpu.enqueue_indirect_dma source(%arg8 : memref<80x128xf32, #tpu.memory_space<vmem>>) target(%dma_start3A_41 : memref<10240x128xf32, #tpu.memory_space<vmem_shared>>) offsets(%dma_start3A_38 : memref<80xi32, #tpu.memory_space<vmem>>) semaphore(%run_scoped3A_35 : memref<!tpu.dma_semaphore, #tpu.memory_space<semaphore_mem>>) {add = true}
        %dma_wait3A_42 = arith.constant 0 : i32
        %dma_wait3A_43 = tpu.memref_slice %arg7[%run_scoped3A_34, %dma_wait3A_42] : memref<1x80xi32, #tpu.memory_space<vmem>> -> memref<1x80xi32, #tpu.memory_space<vmem>>
        %dma_wait3A_44 = tpu.memref_squeeze %dma_wait3A_43 : memref<1x80xi32, #tpu.memory_space<vmem>> -> memref<80xi32, #tpu.memory_space<vmem>>
        %dma_wait3A_45 = arith.constant 0 : i32
        %dma_wait3A_46 = arith.constant 0 : i32
        %dma_wait3A_47 = tpu.memref_slice %arg10[%dma_wait3A_45, %dma_wait3A_46] : memref<10240x128xf32, #tpu.memory_space<vmem_shared>> -> memref<10240x128xf32, #tpu.memory_space<vmem_shared>>
        tpu.wait_indirect_dma semaphore(%run_scoped3A_35 : memref<!tpu.dma_semaphore, #tpu.memory_space<semaphore_mem>>) src(%arg8 : memref<80x128xf32, #tpu.memory_space<vmem>>) dst(%dma_wait3A_47 : memref<10240x128xf32, #tpu.memory_space<vmem_shared>>)
        tpu.yield
      }) : () -> ()
    }
    %scan3A_20 = arith.constant 125 : i32
    %barrier3A_21 = arith.constant 0 : index
    tpu.barrier barrier_id(%barrier3A_21)
    %mul3A_22 = arith.constant 640 : i32
    %mul3A_23 = arith.muli %arg1, %mul3A_22 : i32
    %mul3A_24 = arith.constant 640 : i32
    %mul3A_25 = arith.muli %arg1, %mul3A_24 : i32
    "tpu.region"() ({
      %run_scoped3A = tpu.sem_alloc : memref<!tpu.dma_semaphore, #tpu.memory_space<semaphore_mem>>
      %dma_start3A = arith.constant 0 : i32
      %dma_start3A_26 = tpu.memref_slice %arg5[%arg0, %mul3A_25, %dma_start3A] : memref<2x10240x128xf32, #tpu.memory_space<hbm>> -> memref<1x640x128xf32, #tpu.memory_space<hbm>>
      %dma_start3A_27 = tpu.memref_squeeze %dma_start3A_26 : memref<1x640x128xf32, #tpu.memory_space<hbm>> -> memref<640x128xf32, #tpu.memory_space<hbm>>
      %dma_start3A_28 = arith.constant 0 : i32
      %dma_start3A_29 = tpu.memref_slice %arg10[%mul3A_23, %dma_start3A_28] : memref<10240x128xf32, #tpu.memory_space<vmem_shared>> -> memref<640x128xf32, #tpu.memory_space<vmem_shared>>
      tpu.enqueue_dma source(%dma_start3A_29 : memref<640x128xf32, #tpu.memory_space<vmem_shared>>) target(%dma_start3A_27 : memref<640x128xf32, #tpu.memory_space<hbm>>) target_semaphore(%run_scoped3A : memref<!tpu.dma_semaphore, #tpu.memory_space<semaphore_mem>>)
      %dma_wait3A = arith.constant 0 : i32
      %dma_wait3A_30 = tpu.memref_slice %arg5[%arg0, %mul3A_25, %dma_wait3A] : memref<2x10240x128xf32, #tpu.memory_space<hbm>> -> memref<1x640x128xf32, #tpu.memory_space<hbm>>
      %dma_wait3A_31 = tpu.memref_squeeze %dma_wait3A_30 : memref<1x640x128xf32, #tpu.memory_space<hbm>> -> memref<640x128xf32, #tpu.memory_space<hbm>>
      %dma_wait3A_32 = arith.constant 0 : i32
      %dma_wait3A_33 = tpu.memref_slice %arg10[%mul3A_23, %dma_wait3A_32] : memref<10240x128xf32, #tpu.memory_space<vmem_shared>> -> memref<640x128xf32, #tpu.memory_space<vmem_shared>>
      tpu.wait_dma2 semaphore(%run_scoped3A : memref<!tpu.dma_semaphore, #tpu.memory_space<semaphore_mem>>) src(%dma_wait3A_33 : memref<640x128xf32, #tpu.memory_space<vmem_shared>>) dst(%dma_wait3A_31 : memref<640x128xf32, #tpu.memory_space<hbm>>)
      tpu.yield
    }) : () -> ()
    return
  }
}

#map = affine_map<(d0, d1) -> (0)>
#map1 = affine_map<(d0, d1) -> (0, 0, 0)>
module attributes {stable_mosaic.version = 14 : i64} {
  func.func @_sc_degree(%arg0: i32, %arg1: i32, %arg2: memref<320000xi32, #tpu.memory_space<hbm>>, %arg3: memref<2x10240x128xf32, #tpu.memory_space<hbm>>, %arg4: memref<1x80xi32, #tpu.memory_space<vmem>>, %arg5: memref<80x128xf32, #tpu.memory_space<vmem>>, %arg6: memref<10240x128xf32, #tpu.memory_space<vmem_shared>>) attributes {dimension_semantics = [#tpu.dimension_semantics<core_parallel>, #tpu.dimension_semantics<subcore_parallel>], iteration_bounds = array<i64: 2, 16>, scalar_prefetch = 0 : i64, scratch_operands = 3 : i64, tpu.core_type = #tpu.core_type<sc_vector_subcore>, window_params = [{transform_indices = #map}, {transform_indices = #map1}]} {
    %broadcast_in_dim3A = arith.constant 0.000000e+00 : f32
    %broadcast_in_dim3A_0 = vector.broadcast %broadcast_in_dim3A : f32 to vector<16xf32>
    %broadcast_in_dim3A_1 = arith.constant 1.000000e+00 : f32
    %broadcast_in_dim3A_2 = vector.broadcast %broadcast_in_dim3A_1 : f32 to vector<16xf32>
    %scan3A = arith.constant 0 : i32
    %scan3A_3 = arith.constant 0 : i32
    %scan3A_4 = arith.constant 80 : i32
    %scan3A_5 = arith.addi %scan3A_3, %scan3A_4 : i32
    %scan3A_6 = arith.constant 1 : i32
    scf.for %scan3A_34 = %scan3A_3 to %scan3A_5 step %scan3A_6  : i32 {
      %swap3A = arith.index_cast %scan3A_34 : i32 to index
      %swap3A_35 = arith.constant 0 : index
      %swap3A_36 = tpu.vector_load %arg5[%swap3A, %swap3A_35] {strides = array<i32>} : memref<80x128xf32, #tpu.memory_space<vmem>>, vector<16xf32>,
      tpu.vector_store %arg5[%swap3A, %swap3A_35], %broadcast_in_dim3A_0 {strides = array<i32>} : memref<80x128xf32, #tpu.memory_space<vmem>>, vector<16xf32>,
      %swap3A_37 = arith.index_cast %scan3A_34 : i32 to index
      %swap3A_38 = arith.constant 16 : index
      %swap3A_39 = tpu.vector_load %arg5[%swap3A_37, %swap3A_38] {strides = array<i32>} : memref<80x128xf32, #tpu.memory_space<vmem>>, vector<16xf32>,
      tpu.vector_store %arg5[%swap3A_37, %swap3A_38], %broadcast_in_dim3A_0 {strides = array<i32>} : memref<80x128xf32, #tpu.memory_space<vmem>>, vector<16xf32>,
      %swap3A_40 = arith.index_cast %scan3A_34 : i32 to index
      %swap3A_41 = arith.constant 32 : index
      %swap3A_42 = tpu.vector_load %arg5[%swap3A_40, %swap3A_41] {strides = array<i32>} : memref<80x128xf32, #tpu.memory_space<vmem>>, vector<16xf32>,
      tpu.vector_store %arg5[%swap3A_40, %swap3A_41], %broadcast_in_dim3A_0 {strides = array<i32>} : memref<80x128xf32, #tpu.memory_space<vmem>>, vector<16xf32>,
      %swap3A_43 = arith.index_cast %scan3A_34 : i32 to index
      %swap3A_44 = arith.constant 48 : index
      %swap3A_45 = tpu.vector_load %arg5[%swap3A_43, %swap3A_44] {strides = array<i32>} : memref<80x128xf32, #tpu.memory_space<vmem>>, vector<16xf32>,
      tpu.vector_store %arg5[%swap3A_43, %swap3A_44], %broadcast_in_dim3A_0 {strides = array<i32>} : memref<80x128xf32, #tpu.memory_space<vmem>>, vector<16xf32>,
      %swap3A_46 = arith.index_cast %scan3A_34 : i32 to index
      %swap3A_47 = arith.constant 64 : index
      %swap3A_48 = tpu.vector_load %arg5[%swap3A_46, %swap3A_47] {strides = array<i32>} : memref<80x128xf32, #tpu.memory_space<vmem>>, vector<16xf32>,
      tpu.vector_store %arg5[%swap3A_46, %swap3A_47], %broadcast_in_dim3A_0 {strides = array<i32>} : memref<80x128xf32, #tpu.memory_space<vmem>>, vector<16xf32>,
      %swap3A_49 = arith.index_cast %scan3A_34 : i32 to index
      %swap3A_50 = arith.constant 80 : index
      %swap3A_51 = tpu.vector_load %arg5[%swap3A_49, %swap3A_50] {strides = array<i32>} : memref<80x128xf32, #tpu.memory_space<vmem>>, vector<16xf32>,
      tpu.vector_store %arg5[%swap3A_49, %swap3A_50], %broadcast_in_dim3A_0 {strides = array<i32>} : memref<80x128xf32, #tpu.memory_space<vmem>>, vector<16xf32>,
      %swap3A_52 = arith.index_cast %scan3A_34 : i32 to index
      %swap3A_53 = arith.constant 96 : index
      %swap3A_54 = tpu.vector_load %arg5[%swap3A_52, %swap3A_53] {strides = array<i32>} : memref<80x128xf32, #tpu.memory_space<vmem>>, vector<16xf32>,
      tpu.vector_store %arg5[%swap3A_52, %swap3A_53], %broadcast_in_dim3A_0 {strides = array<i32>} : memref<80x128xf32, #tpu.memory_space<vmem>>, vector<16xf32>,
      %swap3A_55 = arith.index_cast %scan3A_34 : i32 to index
      %swap3A_56 = arith.constant 112 : index
      %swap3A_57 = tpu.vector_load %arg5[%swap3A_55, %swap3A_56] {strides = array<i32>} : memref<80x128xf32, #tpu.memory_space<vmem>>, vector<16xf32>,
      tpu.vector_store %arg5[%swap3A_55, %swap3A_56], %broadcast_in_dim3A_0 {strides = array<i32>} : memref<80x128xf32, #tpu.memory_space<vmem>>, vector<16xf32>,
    }
    %scan3A_7 = arith.constant 80 : i32
    %scan3A_8 = arith.constant 0 : i32
    %scan3A_9 = arith.constant 0 : i32
    %scan3A_10 = arith.constant 8 : i32
    %scan3A_11 = arith.addi %scan3A_9, %scan3A_10 : i32
    %scan3A_12 = arith.constant 1 : i32
    scf.for %scan3A_34 = %scan3A_9 to %scan3A_11 step %scan3A_12  : i32 {
      %mul3A_35 = arith.constant 640 : i32
      %mul3A_36 = arith.muli %arg1, %mul3A_35 : i32
      %mul3A_37 = arith.constant 80 : i32
      %mul3A_38 = arith.muli %scan3A_34, %mul3A_37 : i32
      %add3A_39 = arith.addi %mul3A_36, %mul3A_38 : i32
      "tpu.region"() ({
        %run_scoped3A = tpu.sem_alloc : memref<!tpu.dma_semaphore, #tpu.memory_space<semaphore_mem>>
        %dma_start3A = arith.constant 0 : i32
        %dma_start3A_40 = tpu.memref_slice %arg6[%add3A_39, %dma_start3A] : memref<10240x128xf32, #tpu.memory_space<vmem_shared>> -> memref<80x128xf32, #tpu.memory_space<vmem_shared>>
        %dma_start3A_41 = arith.constant 0 : i32
        %dma_start3A_42 = tpu.memref_slice %arg6[%add3A_39, %dma_start3A_41] : memref<10240x128xf32, #tpu.memory_space<vmem_shared>> -> memref<80x128xf32, #tpu.memory_space<vmem_shared>>
        tpu.enqueue_dma source(%arg5 : memref<80x128xf32, #tpu.memory_space<vmem>>) target(%dma_start3A_42 : memref<80x128xf32, #tpu.memory_space<vmem_shared>>) target_semaphore(%run_scoped3A : memref<!tpu.dma_semaphore, #tpu.memory_space<semaphore_mem>>)
        %dma_wait3A = arith.constant 0 : i32
        %dma_wait3A_43 = tpu.memref_slice %arg6[%add3A_39, %dma_wait3A] : memref<10240x128xf32, #tpu.memory_space<vmem_shared>> -> memref<80x128xf32, #tpu.memory_space<vmem_shared>>
        %dma_wait3A_44 = arith.constant 0 : i32
        %dma_wait3A_45 = tpu.memref_slice %arg6[%add3A_39, %dma_wait3A_44] : memref<10240x128xf32, #tpu.memory_space<vmem_shared>> -> memref<80x128xf32, #tpu.memory_space<vmem_shared>>
        tpu.wait_dma2 semaphore(%run_scoped3A : memref<!tpu.dma_semaphore, #tpu.memory_space<semaphore_mem>>) src(%arg5 : memref<80x128xf32, #tpu.memory_space<vmem>>) dst(%dma_wait3A_45 : memref<80x128xf32, #tpu.memory_space<vmem_shared>>)
        tpu.yield
      }) : () -> ()
    }
    %scan3A_13 = arith.constant 8 : i32
    %scan3A_14 = arith.constant 0 : i32
    %scan3A_15 = arith.constant 0 : i32
    %scan3A_16 = arith.constant 80 : i32
    %scan3A_17 = arith.addi %scan3A_15, %scan3A_16 : i32
    %scan3A_18 = arith.constant 1 : i32
    scf.for %scan3A_34 = %scan3A_15 to %scan3A_17 step %scan3A_18  : i32 {
      %swap3A = arith.index_cast %scan3A_34 : i32 to index
      %swap3A_35 = arith.constant 0 : index
      %swap3A_36 = tpu.vector_load %arg5[%swap3A, %swap3A_35] {strides = array<i32>} : memref<80x128xf32, #tpu.memory_space<vmem>>, vector<16xf32>,
      tpu.vector_store %arg5[%swap3A, %swap3A_35], %broadcast_in_dim3A_2 {strides = array<i32>} : memref<80x128xf32, #tpu.memory_space<vmem>>, vector<16xf32>,
      %swap3A_37 = arith.index_cast %scan3A_34 : i32 to index
      %swap3A_38 = arith.constant 16 : index
      %swap3A_39 = tpu.vector_load %arg5[%swap3A_37, %swap3A_38] {strides = array<i32>} : memref<80x128xf32, #tpu.memory_space<vmem>>, vector<16xf32>,
      tpu.vector_store %arg5[%swap3A_37, %swap3A_38], %broadcast_in_dim3A_2 {strides = array<i32>} : memref<80x128xf32, #tpu.memory_space<vmem>>, vector<16xf32>,
      %swap3A_40 = arith.index_cast %scan3A_34 : i32 to index
      %swap3A_41 = arith.constant 32 : index
      %swap3A_42 = tpu.vector_load %arg5[%swap3A_40, %swap3A_41] {strides = array<i32>} : memref<80x128xf32, #tpu.memory_space<vmem>>, vector<16xf32>,
      tpu.vector_store %arg5[%swap3A_40, %swap3A_41], %broadcast_in_dim3A_2 {strides = array<i32>} : memref<80x128xf32, #tpu.memory_space<vmem>>, vector<16xf32>,
      %swap3A_43 = arith.index_cast %scan3A_34 : i32 to index
      %swap3A_44 = arith.constant 48 : index
      %swap3A_45 = tpu.vector_load %arg5[%swap3A_43, %swap3A_44] {strides = array<i32>} : memref<80x128xf32, #tpu.memory_space<vmem>>, vector<16xf32>,
      tpu.vector_store %arg5[%swap3A_43, %swap3A_44], %broadcast_in_dim3A_2 {strides = array<i32>} : memref<80x128xf32, #tpu.memory_space<vmem>>, vector<16xf32>,
      %swap3A_46 = arith.index_cast %scan3A_34 : i32 to index
      %swap3A_47 = arith.constant 64 : index
      %swap3A_48 = tpu.vector_load %arg5[%swap3A_46, %swap3A_47] {strides = array<i32>} : memref<80x128xf32, #tpu.memory_space<vmem>>, vector<16xf32>,
      tpu.vector_store %arg5[%swap3A_46, %swap3A_47], %broadcast_in_dim3A_2 {strides = array<i32>} : memref<80x128xf32, #tpu.memory_space<vmem>>, vector<16xf32>,
      %swap3A_49 = arith.index_cast %scan3A_34 : i32 to index
      %swap3A_50 = arith.constant 80 : index
      %swap3A_51 = tpu.vector_load %arg5[%swap3A_49, %swap3A_50] {strides = array<i32>} : memref<80x128xf32, #tpu.memory_space<vmem>>, vector<16xf32>,
      tpu.vector_store %arg5[%swap3A_49, %swap3A_50], %broadcast_in_dim3A_2 {strides = array<i32>} : memref<80x128xf32, #tpu.memory_space<vmem>>, vector<16xf32>,
      %swap3A_52 = arith.index_cast %scan3A_34 : i32 to index
      %swap3A_53 = arith.constant 96 : index
      %swap3A_54 = tpu.vector_load %arg5[%swap3A_52, %swap3A_53] {strides = array<i32>} : memref<80x128xf32, #tpu.memory_space<vmem>>, vector<16xf32>,
      tpu.vector_store %arg5[%swap3A_52, %swap3A_53], %broadcast_in_dim3A_2 {strides = array<i32>} : memref<80x128xf32, #tpu.memory_space<vmem>>, vector<16xf32>,
      %swap3A_55 = arith.index_cast %scan3A_34 : i32 to index
      %swap3A_56 = arith.constant 112 : index
      %swap3A_57 = tpu.vector_load %arg5[%swap3A_55, %swap3A_56] {strides = array<i32>} : memref<80x128xf32, #tpu.memory_space<vmem>>, vector<16xf32>,
      tpu.vector_store %arg5[%swap3A_55, %swap3A_56], %broadcast_in_dim3A_2 {strides = array<i32>} : memref<80x128xf32, #tpu.memory_space<vmem>>, vector<16xf32>,
    }
    %scan3A_19 = arith.constant 80 : i32
    %barrier3A = arith.constant 0 : index
    tpu.barrier barrier_id(%barrier3A)
    %mul3A = arith.constant 16 : i32
    %mul3A_20 = arith.muli %arg0, %mul3A : i32
    %add3A = arith.addi %mul3A_20, %arg1 : i32
    %mul3A_21 = arith.constant 10000 : i32
    %mul3A_22 = arith.muli %add3A, %mul3A_21 : i32
    %scan3A_23 = arith.constant 0 : i32
    %scan3A_24 = arith.constant 0 : i32
    %scan3A_25 = arith.constant 125 : i32
    %scan3A_26 = arith.addi %scan3A_24, %scan3A_25 : i32
    %scan3A_27 = arith.constant 1 : i32
    scf.for %scan3A_34 = %scan3A_24 to %scan3A_26 step %scan3A_27  : i32 {
      %mul3A_35 = arith.constant 80 : i32
      %mul3A_36 = arith.muli %scan3A_34, %mul3A_35 : i32
      %add3A_37 = arith.addi %mul3A_22, %mul3A_36 : i32
      %run_scoped3A = arith.constant 0 : i32
      "tpu.region"() ({
        %run_scoped3A_39 = tpu.sem_alloc : memref<!tpu.dma_semaphore, #tpu.memory_space<semaphore_mem>>
        %dma_start3A = arith.constant 0 : i32
        %dma_start3A_40 = tpu.memref_slice %arg4[%run_scoped3A, %dma_start3A] : memref<1x80xi32, #tpu.memory_space<vmem>> -> memref<1x80xi32, #tpu.memory_space<vmem>>
        %dma_start3A_41 = tpu.memref_squeeze %dma_start3A_40 : memref<1x80xi32, #tpu.memory_space<vmem>> -> memref<80xi32, #tpu.memory_space<vmem>>
        %dma_start3A_42 = tpu.memref_slice %arg2[%add3A_37] : memref<320000xi32, #tpu.memory_space<hbm>> -> memref<80xi32, #tpu.memory_space<hbm>>
        %dma_start3A_43 = arith.constant 0 : i32
        %dma_start3A_44 = tpu.memref_slice %arg4[%run_scoped3A, %dma_start3A_43] : memref<1x80xi32, #tpu.memory_space<vmem>> -> memref<1x80xi32, #tpu.memory_space<vmem>>
        %dma_start3A_45 = tpu.memref_squeeze %dma_start3A_44 : memref<1x80xi32, #tpu.memory_space<vmem>> -> memref<80xi32, #tpu.memory_space<vmem>>
        %dma_start3A_46 = tpu.memref_slice %arg2[%add3A_37] : memref<320000xi32, #tpu.memory_space<hbm>> -> memref<80xi32, #tpu.memory_space<hbm>>
        tpu.enqueue_dma source(%dma_start3A_46 : memref<80xi32, #tpu.memory_space<hbm>>) target(%dma_start3A_45 : memref<80xi32, #tpu.memory_space<vmem>>) target_semaphore(%run_scoped3A_39 : memref<!tpu.dma_semaphore, #tpu.memory_space<semaphore_mem>>)
        %dma_wait3A = arith.constant 0 : i32
        %dma_wait3A_47 = tpu.memref_slice %arg4[%run_scoped3A, %dma_wait3A] : memref<1x80xi32, #tpu.memory_space<vmem>> -> memref<1x80xi32, #tpu.memory_space<vmem>>
        %dma_wait3A_48 = tpu.memref_squeeze %dma_wait3A_47 : memref<1x80xi32, #tpu.memory_space<vmem>> -> memref<80xi32, #tpu.memory_space<vmem>>
        %dma_wait3A_49 = tpu.memref_slice %arg2[%add3A_37] : memref<320000xi32, #tpu.memory_space<hbm>> -> memref<80xi32, #tpu.memory_space<hbm>>
        %dma_wait3A_50 = arith.constant 0 : i32
        %dma_wait3A_51 = tpu.memref_slice %arg4[%run_scoped3A, %dma_wait3A_50] : memref<1x80xi32, #tpu.memory_space<vmem>> -> memref<1x80xi32, #tpu.memory_space<vmem>>
        %dma_wait3A_52 = tpu.memref_squeeze %dma_wait3A_51 : memref<1x80xi32, #tpu.memory_space<vmem>> -> memref<80xi32, #tpu.memory_space<vmem>>
        %dma_wait3A_53 = tpu.memref_slice %arg2[%add3A_37] : memref<320000xi32, #tpu.memory_space<hbm>> -> memref<80xi32, #tpu.memory_space<hbm>>
        tpu.wait_dma2 semaphore(%run_scoped3A_39 : memref<!tpu.dma_semaphore, #tpu.memory_space<semaphore_mem>>) src(%dma_wait3A_53 : memref<80xi32, #tpu.memory_space<hbm>>) dst(%dma_wait3A_52 : memref<80xi32, #tpu.memory_space<vmem>>)
        tpu.yield
      }) : () -> ()
      %run_scoped3A_38 = arith.constant 0 : i32
      "tpu.region"() ({
        %run_scoped3A_39 = tpu.sem_alloc : memref<!tpu.dma_semaphore, #tpu.memory_space<semaphore_mem>>
        %dma_start3A = arith.constant 0 : i32
        %dma_start3A_40 = tpu.memref_slice %arg4[%run_scoped3A_38, %dma_start3A] : memref<1x80xi32, #tpu.memory_space<vmem>> -> memref<1x80xi32, #tpu.memory_space<vmem>>
        %dma_start3A_41 = tpu.memref_squeeze %dma_start3A_40 : memref<1x80xi32, #tpu.memory_space<vmem>> -> memref<80xi32, #tpu.memory_space<vmem>>
        %dma_start3A_42 = arith.constant 0 : i32
        %dma_start3A_43 = arith.constant 0 : i32
        %dma_start3A_44 = tpu.memref_slice %arg6[%dma_start3A_42, %dma_start3A_43] : memref<10240x128xf32, #tpu.memory_space<vmem_shared>> -> memref<10240x128xf32, #tpu.memory_space<vmem_shared>>
        tpu.enqueue_indirect_dma source(%arg5 : memref<80x128xf32, #tpu.memory_space<vmem>>) target(%dma_start3A_44 : memref<10240x128xf32, #tpu.memory_space<vmem_shared>>) offsets(%dma_start3A_41 : memref<80xi32, #tpu.memory_space<vmem>>) semaphore(%run_scoped3A_39 : memref<!tpu.dma_semaphore, #tpu.memory_space<semaphore_mem>>) {add = true}
        %dma_wait3A = arith.constant 0 : i32
        %dma_wait3A_45 = tpu.memref_slice %arg4[%run_scoped3A_38, %dma_wait3A] : memref<1x80xi32, #tpu.memory_space<vmem>> -> memref<1x80xi32, #tpu.memory_space<vmem>>
        %dma_wait3A_46 = tpu.memref_squeeze %dma_wait3A_45 : memref<1x80xi32, #tpu.memory_space<vmem>> -> memref<80xi32, #tpu.memory_space<vmem>>
        %dma_wait3A_47 = arith.constant 0 : i32
        %dma_wait3A_48 = arith.constant 0 : i32
        %dma_wait3A_49 = tpu.memref_slice %arg6[%dma_wait3A_47, %dma_wait3A_48] : memref<10240x128xf32, #tpu.memory_space<vmem_shared>> -> memref<10240x128xf32, #tpu.memory_space<vmem_shared>>
        tpu.wait_indirect_dma semaphore(%run_scoped3A_39 : memref<!tpu.dma_semaphore, #tpu.memory_space<semaphore_mem>>) src(%arg5 : memref<80x128xf32, #tpu.memory_space<vmem>>) dst(%dma_wait3A_49 : memref<10240x128xf32, #tpu.memory_space<vmem_shared>>)
        tpu.yield
      }) : () -> ()
    }
    %scan3A_28 = arith.constant 125 : i32
    %barrier3A_29 = arith.constant 0 : index
    tpu.barrier barrier_id(%barrier3A_29)
    %mul3A_30 = arith.constant 640 : i32
    %mul3A_31 = arith.muli %arg1, %mul3A_30 : i32
    %mul3A_32 = arith.constant 640 : i32
    %mul3A_33 = arith.muli %arg1, %mul3A_32 : i32
    "tpu.region"() ({
      %run_scoped3A = tpu.sem_alloc : memref<!tpu.dma_semaphore, #tpu.memory_space<semaphore_mem>>
      %dma_start3A = arith.constant 0 : i32
      %dma_start3A_34 = tpu.memref_slice %arg3[%arg0, %mul3A_33, %dma_start3A] : memref<2x10240x128xf32, #tpu.memory_space<hbm>> -> memref<1x640x128xf32, #tpu.memory_space<hbm>>
      %dma_start3A_35 = tpu.memref_squeeze %dma_start3A_34 : memref<1x640x128xf32, #tpu.memory_space<hbm>> -> memref<640x128xf32, #tpu.memory_space<hbm>>
      %dma_start3A_36 = arith.constant 0 : i32
      %dma_start3A_37 = tpu.memref_slice %arg6[%mul3A_31, %dma_start3A_36] : memref<10240x128xf32, #tpu.memory_space<vmem_shared>> -> memref<640x128xf32, #tpu.memory_space<vmem_shared>>
      tpu.enqueue_dma source(%dma_start3A_37 : memref<640x128xf32, #tpu.memory_space<vmem_shared>>) target(%dma_start3A_35 : memref<640x128xf32, #tpu.memory_space<hbm>>) target_semaphore(%run_scoped3A : memref<!tpu.dma_semaphore, #tpu.memory_space<semaphore_mem>>)
      %dma_wait3A = arith.constant 0 : i32
      %dma_wait3A_38 = tpu.memref_slice %arg3[%arg0, %mul3A_33, %dma_wait3A] : memref<2x10240x128xf32, #tpu.memory_space<hbm>> -> memref<1x640x128xf32, #tpu.memory_space<hbm>>
      %dma_wait3A_39 = tpu.memref_squeeze %dma_wait3A_38 : memref<1x640x128xf32, #tpu.memory_space<hbm>> -> memref<640x128xf32, #tpu.memory_space<hbm>>
      %dma_wait3A_40 = arith.constant 0 : i32
      %dma_wait3A_41 = tpu.memref_slice %arg6[%mul3A_31, %dma_wait3A_40] : memref<10240x128xf32, #tpu.memory_space<vmem_shared>> -> memref<640x128xf32, #tpu.memory_space<vmem_shared>>
      tpu.wait_dma2 semaphore(%run_scoped3A : memref<!tpu.dma_semaphore, #tpu.memory_space<semaphore_mem>>) src(%dma_wait3A_41 : memref<640x128xf32, #tpu.memory_space<vmem_shared>>) dst(%dma_wait3A_39 : memref<640x128xf32, #tpu.memory_space<hbm>>)
      tpu.yield
    }) : () -> ()
    return
  }
}

module attributes {stable_mosaic.version = 14 : i64} {
  func.func @_prep_body(%arg0: i32, %arg1: memref<512x2xf32, #tpu.memory_space<vmem>>, %arg2: memref<512x128xf32, #tpu.memory_space<vmem>>, %arg3: memref<512x1xf32, #tpu.memory_space<vmem>>, %arg4: memref<512x128xf32, #tpu.memory_space<vmem>>) attributes {dimension_semantics = [#tpu.dimension_semantics<arbitrary>], iteration_bounds = array<i64: 20>, scalar_prefetch = 0 : i64, scratch_operands = 0 : i64, tpu.core_type = #tpu.core_type<tc>, window_params = [{transform_indices = @transform_0, window_bounds = array<i64: 512, 2>}, {transform_indices = @transform_1, window_bounds = array<i64: 512, 128>}, {transform_indices = @transform_2, window_bounds = array<i64: 512, 1>}, {transform_indices = @transform_3, window_bounds = array<i64: 512, 128>}]} {
    %get3A = arith.constant 0 : index
    %get3A_0 = arith.constant 0 : index
    %get3A_1 = vector.load %arg1[%get3A, %get3A_0] : memref<512x2xf32, #tpu.memory_space<vmem>>, vector<512x2xf32>
    %reduce_sum3A = arith.constant dense<0.000000e+00> : vector<512xf32>
    %reduce_sum3A_2 = vector.multi_reduction <add>, %get3A_1, %reduce_sum3A [1] : vector<512x2xf32> to vector<512xf32>
    %broadcast_in_dim3A = vector.shape_cast %reduce_sum3A_2 : vector<512xf32> to vector<512x1xf32>
    %add3A = arith.constant 1.000000e+00 : f32
    %add3A_3 = vector.broadcast %add3A : f32 to vector<512x1xf32>
    %add3A_4 = arith.addf %broadcast_in_dim3A, %add3A_3 : vector<512x1xf32>
    %max3A = arith.constant 9.99999996E-13 : f32
    %max3A_5 = vector.broadcast %max3A : f32 to vector<512x1xf32>
    %max3A_6 = arith.maximumf %add3A_4, %max3A_5 : vector<512x1xf32>
    %sqrt3A = math.sqrt %max3A_6 : vector<512x1xf32>
    %div3A = arith.constant 1.000000e+00 : f32
    %div3A_7 = vector.broadcast %div3A : f32 to vector<512x1xf32>
    %div3A_8 = arith.divf %div3A_7, %sqrt3A : vector<512x1xf32>
    %iota3A = tpu.iota {dimensions = array<i32: 0>} : vector<512x1xi32>
    %mul3A = arith.constant 512 : i32
    %mul3A_9 = arith.muli %arg0, %mul3A : i32
    %add3A_10 = vector.broadcast %mul3A_9 : i32 to vector<512x1xi32>
    %add3A_11 = arith.addi %iota3A, %add3A_10 : vector<512x1xi32>
    %lt3A = arith.constant 10000 : i32
    %lt3A_12 = vector.broadcast %lt3A : i32 to vector<512x1xi32>
    %lt3A_13 = arith.cmpi slt, %add3A_11, %lt3A_12 : vector<512x1xi32>
    %jit3A = arith.constant 0.000000e+00 : f32
    %broadcast_in_dim3A_14 = vector.broadcast %jit3A : f32 to vector<512x1xf32>
    %select_n3A = arith.select %lt3A_13, %div3A_8, %broadcast_in_dim3A_14 : vector<512x1xi1>, vector<512x1xf32>
    %swap3A = arith.constant 0 : index
    %swap3A_15 = arith.constant 0 : index
    %swap3A_16 = vector.load %arg3[%swap3A, %swap3A_15] : memref<512x1xf32, #tpu.memory_space<vmem>>, vector<512x1xf32>
    tpu.vector_store %arg3[%swap3A, %swap3A_15], %select_n3A {strides = array<i32>} : memref<512x1xf32, #tpu.memory_space<vmem>>, vector<512x1xf32>,
    %get3A_17 = arith.constant 0 : index
    %get3A_18 = arith.constant 0 : index
    %get3A_19 = vector.load %arg2[%get3A_17, %get3A_18] : memref<512x128xf32, #tpu.memory_space<vmem>>, vector<512x128xf32>
    %mul3A_20 = vector.broadcast %select_n3A : vector<512x1xf32> to vector<512x128xf32>
    %mul3A_21 = arith.mulf %mul3A_20, %get3A_19 : vector<512x128xf32>
    %swap3A_22 = arith.constant 0 : index
    %swap3A_23 = arith.constant 0 : index
    %swap3A_24 = vector.load %arg4[%swap3A_22, %swap3A_23] : memref<512x128xf32, #tpu.memory_space<vmem>>, vector<512x128xf32>
    tpu.vector_store %arg4[%swap3A_22, %swap3A_23], %mul3A_21 {strides = array<i32>} : memref<512x128xf32, #tpu.memory_space<vmem>>, vector<512x128xf32>,
    return
  }
  func.func @transform_0(%arg0: i32) -> (i32, i32) {
    %c0_i32 = arith.constant 0 : i32
    %c0_i32_0 = arith.constant 0 : i32
    return %arg0, %c0_i32 : i32, i32
  }
  func.func @transform_1(%arg0: i32) -> (i32, i32) {
    %c0_i32 = arith.constant 0 : i32
    %c0_i32_0 = arith.constant 0 : i32
    return %arg0, %c0_i32 : i32, i32
  }
  func.func @transform_2(%arg0: i32) -> (i32, i32) {
    %c0_i32 = arith.constant 0 : i32
    %c0_i32_0 = arith.constant 0 : i32
    return %arg0, %c0_i32 : i32, i32
  }
  func.func @transform_3(%arg0: i32) -> (i32, i32) {
    %c0_i32 = arith.constant 0 : i32
    %c0_i32_0 = arith.constant 0 : i32
    return %arg0, %c0_i32 : i32, i32
  }
}

module attributes {stable_mosaic.version = 14 : i64} {
  func.func @_mid_body(%arg0: i32, %arg1: memref<2x512x128xf32, #tpu.memory_space<vmem>>, %arg2: memref<512x128xf32, #tpu.memory_space<vmem>>, %arg3: memref<512x1xf32, #tpu.memory_space<vmem>>, %arg4: memref<128x256xf32, #tpu.memory_space<vmem>>, %arg5: memref<1x256xf32, #tpu.memory_space<vmem>>, %arg6: memref<2x512x128xf32, #tpu.memory_space<vmem>>) attributes {dimension_semantics = [#tpu.dimension_semantics<arbitrary>], iteration_bounds = array<i64: 20>, scalar_prefetch = 0 : i64, scratch_operands = 0 : i64, tpu.core_type = #tpu.core_type<tc>, window_params = [{transform_indices = @transform_0, window_bounds = array<i64: 2, 512, 128>}, {transform_indices = @transform_1, window_bounds = array<i64: 512, 128>}, {transform_indices = @transform_2, window_bounds = array<i64: 512, 1>}, {pipeline_mode = #tpu.pipeline_mode<synchronous>, transform_indices = @transform_3, window_bounds = array<i64: 128, 256>}, {pipeline_mode = #tpu.pipeline_mode<synchronous>, transform_indices = @transform_4, window_bounds = array<i64: 1, 256>}, {transform_indices = @transform_5, window_bounds = array<i64: 2, 512, 128>}]} {
    %get3A = arith.constant 0 : index
    %get3A_0 = arith.constant 0 : index
    %get3A_1 = vector.load %arg3[%get3A, %get3A_0] : memref<512x1xf32, #tpu.memory_space<vmem>>, vector<512x1xf32>
    %get3A_2 = arith.constant 0 : index
    %get3A_3 = arith.constant 0 : index
    %get3A_4 = arith.constant 0 : index
    %get3A_5 = vector.load %arg1[%get3A_2, %get3A_3, %get3A_4] : memref<2x512x128xf32, #tpu.memory_space<vmem>>, vector<1x512x128xf32>
    %get3A_6 = vector.shape_cast %get3A_5 : vector<1x512x128xf32> to vector<512x128xf32>
    %get3A_7 = arith.constant 1 : index
    %get3A_8 = arith.constant 0 : index
    %get3A_9 = arith.constant 0 : index
    %get3A_10 = vector.load %arg1[%get3A_7, %get3A_8, %get3A_9] : memref<2x512x128xf32, #tpu.memory_space<vmem>>, vector<1x512x128xf32>
    %get3A_11 = vector.shape_cast %get3A_10 : vector<1x512x128xf32> to vector<512x128xf32>
    %add3A = arith.addf %get3A_6, %get3A_11 : vector<512x128xf32>
    %get3A_12 = arith.constant 0 : index
    %get3A_13 = arith.constant 0 : index
    %get3A_14 = vector.load %arg2[%get3A_12, %get3A_13] : memref<512x128xf32, #tpu.memory_space<vmem>>, vector<512x128xf32>
    %add3A_15 = arith.addf %add3A, %get3A_14 : vector<512x128xf32>
    %mul3A = vector.broadcast %get3A_1 : vector<512x1xf32> to vector<512x128xf32>
    %mul3A_16 = arith.mulf %mul3A, %add3A_15 : vector<512x128xf32>
    %get3A_17 = arith.constant 0 : index
    %get3A_18 = arith.constant 0 : index
    %get3A_19 = vector.load %arg4[%get3A_17, %get3A_18] : memref<128x256xf32, #tpu.memory_space<vmem>>, vector<128x256xf32>
    %dot_general3A = arith.constant dense<0.000000e+00> : vector<512x256xf32>
    %dot_general3A_20 = tpu.matmul %mul3A_16, %get3A_19, %dot_general3A {dimension_numbers = #tpu.dot_dimension_numbers<[1], [0], [0], [1], [0, 0, 1, 1], [], []>, precision = #tpu.contract_precision<fp32>, transpose_lhs_hint = false} : vector<512x128xf32>, vector<128x256xf32>, vector<512x256xf32> -> vector<512x256xf32>
    %get3A_21 = arith.constant 0 : index
    %get3A_22 = arith.constant 0 : index
    %get3A_23 = vector.load %arg5[%get3A_21, %get3A_22] : memref<1x256xf32, #tpu.memory_space<vmem>>, vector<1x256xf32>
    %add3A_24 = vector.broadcast %get3A_23 : vector<1x256xf32> to vector<512x256xf32>
    %add3A_25 = arith.addf %dot_general3A_20, %add3A_24 : vector<512x256xf32>
    %max3A = arith.constant 0.000000e+00 : f32
    %max3A_26 = vector.broadcast %max3A : f32 to vector<512x256xf32>
    %max3A_27 = arith.maximumf %add3A_25, %max3A_26 : vector<512x256xf32>
    %mul3A_28 = vector.broadcast %get3A_1 : vector<512x1xf32> to vector<512x256xf32>
    %mul3A_29 = arith.mulf %mul3A_28, %max3A_27 : vector<512x256xf32>
    %slice3A = vector.extract_strided_slice %mul3A_29 {offsets = [0, 0], sizes = [512, 128], strides = [1, 1]} : vector<512x256xf32> to vector<512x128xf32>
    %swap3A = arith.constant 0 : index
    %swap3A_30 = arith.constant 0 : index
    %swap3A_31 = arith.constant 0 : index
    %swap3A_32 = vector.load %arg6[%swap3A, %swap3A_30, %swap3A_31] : memref<2x512x128xf32, #tpu.memory_space<vmem>>, vector<1x512x128xf32>
    %swap3A_33 = vector.shape_cast %swap3A_32 : vector<1x512x128xf32> to vector<512x128xf32>
    %swap3A_34 = vector.shape_cast %slice3A : vector<512x128xf32> to vector<1x512x128xf32>
    tpu.vector_store %arg6[%swap3A, %swap3A_30, %swap3A_31], %swap3A_34 {strides = array<i32>} : memref<2x512x128xf32, #tpu.memory_space<vmem>>, vector<1x512x128xf32>,
    %slice3A_35 = vector.extract_strided_slice %mul3A_29 {offsets = [0, 128], sizes = [512, 128], strides = [1, 1]} : vector<512x256xf32> to vector<512x128xf32>
    %swap3A_36 = arith.constant 1 : index
    %swap3A_37 = arith.constant 0 : index
    %swap3A_38 = arith.constant 0 : index
    %swap3A_39 = vector.load %arg6[%swap3A_36, %swap3A_37, %swap3A_38] : memref<2x512x128xf32, #tpu.memory_space<vmem>>, vector<1x512x128xf32>
    %swap3A_40 = vector.shape_cast %swap3A_39 : vector<1x512x128xf32> to vector<512x128xf32>
    %swap3A_41 = vector.shape_cast %slice3A_35 : vector<512x128xf32> to vector<1x512x128xf32>
    tpu.vector_store %arg6[%swap3A_36, %swap3A_37, %swap3A_38], %swap3A_41 {strides = array<i32>} : memref<2x512x128xf32, #tpu.memory_space<vmem>>, vector<1x512x128xf32>,
    return
  }
  func.func @transform_0(%arg0: i32) -> (i32, i32, i32) {
    %c0_i32 = arith.constant 0 : i32
    %c0_i32_0 = arith.constant 0 : i32
    %c0_i32_1 = arith.constant 0 : i32
    return %c0_i32, %arg0, %c0_i32_0 : i32, i32, i32
  }
  func.func @transform_1(%arg0: i32) -> (i32, i32) {
    %c0_i32 = arith.constant 0 : i32
    %c0_i32_0 = arith.constant 0 : i32
    return %arg0, %c0_i32 : i32, i32
  }
  func.func @transform_2(%arg0: i32) -> (i32, i32) {
    %c0_i32 = arith.constant 0 : i32
    %c0_i32_0 = arith.constant 0 : i32
    return %arg0, %c0_i32 : i32, i32
  }
  func.func @transform_3(%arg0: i32) -> (i32, i32) {
    %c0_i32 = arith.constant 0 : i32
    %c0_i32_0 = arith.constant 0 : i32
    %c0_i32_1 = arith.constant 0 : i32
    return %c0_i32, %c0_i32_0 : i32, i32
  }
  func.func @transform_4(%arg0: i32) -> (i32, i32) {
    %c0_i32 = arith.constant 0 : i32
    %c0_i32_0 = arith.constant 0 : i32
    %c0_i32_1 = arith.constant 0 : i32
    return %c0_i32, %c0_i32_0 : i32, i32
  }
  func.func @transform_5(%arg0: i32) -> (i32, i32, i32) {
    %c0_i32 = arith.constant 0 : i32
    %c0_i32_0 = arith.constant 0 : i32
    %c0_i32_1 = arith.constant 0 : i32
    return %c0_i32, %arg0, %c0_i32_0 : i32, i32, i32
  }
}

module attributes {stable_mosaic.version = 14 : i64} {
  func.func @_out_body(%arg0: i32, %arg1: memref<2x512x128xf32, #tpu.memory_space<vmem>>, %arg2: memref<2x512x128xf32, #tpu.memory_space<vmem>>, %arg3: memref<512x1xf32, #tpu.memory_space<vmem>>, %arg4: memref<2x128x256xf32, #tpu.memory_space<vmem>>, %arg5: memref<1x256xf32, #tpu.memory_space<vmem>>, %arg6: memref<256x1xf32, #tpu.memory_space<vmem>>, %arg7: memref<1x1xf32, #tpu.memory_space<vmem>>, %arg8: memref<512x1xf32, #tpu.memory_space<vmem>>) attributes {dimension_semantics = [#tpu.dimension_semantics<arbitrary>], iteration_bounds = array<i64: 20>, scalar_prefetch = 0 : i64, scratch_operands = 0 : i64, tpu.core_type = #tpu.core_type<tc>, window_params = [{transform_indices = @transform_0, window_bounds = array<i64: 2, 512, 128>}, {transform_indices = @transform_1, window_bounds = array<i64: 2, 512, 128>}, {transform_indices = @transform_2, window_bounds = array<i64: 512, 1>}, {pipeline_mode = #tpu.pipeline_mode<synchronous>, transform_indices = @transform_3, window_bounds = array<i64: 2, 128, 256>}, {pipeline_mode = #tpu.pipeline_mode<synchronous>, transform_indices = @transform_4, window_bounds = array<i64: 1, 256>}, {pipeline_mode = #tpu.pipeline_mode<synchronous>, transform_indices = @transform_5, window_bounds = array<i64: 256, 1>}, {pipeline_mode = #tpu.pipeline_mode<synchronous>, transform_indices = @transform_6, window_bounds = array<i64: 1, 1>}, {transform_indices = @transform_7, window_bounds = array<i64: 512, 1>}]} {
    %get3A = arith.constant 0 : index
    %get3A_0 = arith.constant 0 : index
    %get3A_1 = vector.load %arg3[%get3A, %get3A_0] : memref<512x1xf32, #tpu.memory_space<vmem>>, vector<512x1xf32>
    %get3A_2 = arith.constant 0 : index
    %get3A_3 = arith.constant 0 : index
    %get3A_4 = arith.constant 0 : index
    %get3A_5 = vector.load %arg1[%get3A_2, %get3A_3, %get3A_4] : memref<2x512x128xf32, #tpu.memory_space<vmem>>, vector<1x512x128xf32>
    %get3A_6 = vector.shape_cast %get3A_5 : vector<1x512x128xf32> to vector<512x128xf32>
    %get3A_7 = arith.constant 0 : index
    %get3A_8 = arith.constant 0 : index
    %get3A_9 = arith.constant 0 : index
    %get3A_10 = vector.load %arg2[%get3A_7, %get3A_8, %get3A_9] : memref<2x512x128xf32, #tpu.memory_space<vmem>>, vector<1x512x128xf32>
    %get3A_11 = vector.shape_cast %get3A_10 : vector<1x512x128xf32> to vector<512x128xf32>
    %add3A = arith.addf %get3A_6, %get3A_11 : vector<512x128xf32>
    %mul3A = vector.broadcast %get3A_1 : vector<512x1xf32> to vector<512x128xf32>
    %mul3A_12 = arith.mulf %mul3A, %add3A : vector<512x128xf32>
    %get3A_13 = arith.constant 1 : index
    %get3A_14 = arith.constant 0 : index
    %get3A_15 = arith.constant 0 : index
    %get3A_16 = vector.load %arg1[%get3A_13, %get3A_14, %get3A_15] : memref<2x512x128xf32, #tpu.memory_space<vmem>>, vector<1x512x128xf32>
    %get3A_17 = vector.shape_cast %get3A_16 : vector<1x512x128xf32> to vector<512x128xf32>
    %get3A_18 = arith.constant 1 : index
    %get3A_19 = arith.constant 0 : index
    %get3A_20 = arith.constant 0 : index
    %get3A_21 = vector.load %arg2[%get3A_18, %get3A_19, %get3A_20] : memref<2x512x128xf32, #tpu.memory_space<vmem>>, vector<1x512x128xf32>
    %get3A_22 = vector.shape_cast %get3A_21 : vector<1x512x128xf32> to vector<512x128xf32>
    %add3A_23 = arith.addf %get3A_17, %get3A_22 : vector<512x128xf32>
    %mul3A_24 = vector.broadcast %get3A_1 : vector<512x1xf32> to vector<512x128xf32>
    %mul3A_25 = arith.mulf %mul3A_24, %add3A_23 : vector<512x128xf32>
    %get3A_26 = arith.constant 0 : index
    %get3A_27 = arith.constant 0 : index
    %get3A_28 = arith.constant 0 : index
    %get3A_29 = vector.load %arg4[%get3A_26, %get3A_27, %get3A_28] : memref<2x128x256xf32, #tpu.memory_space<vmem>>, vector<1x128x256xf32>
    %get3A_30 = vector.shape_cast %get3A_29 : vector<1x128x256xf32> to vector<128x256xf32>
    %dot_general3A = arith.constant dense<0.000000e+00> : vector<512x256xf32>
    %dot_general3A_31 = tpu.matmul %mul3A_12, %get3A_30, %dot_general3A {dimension_numbers = #tpu.dot_dimension_numbers<[1], [0], [0], [1], [0, 0, 1, 1], [], []>, precision = #tpu.contract_precision<fp32>, transpose_lhs_hint = false} : vector<512x128xf32>, vector<128x256xf32>, vector<512x256xf32> -> vector<512x256xf32>
    %get3A_32 = arith.constant 1 : index
    %get3A_33 = arith.constant 0 : index
    %get3A_34 = arith.constant 0 : index
    %get3A_35 = vector.load %arg4[%get3A_32, %get3A_33, %get3A_34] : memref<2x128x256xf32, #tpu.memory_space<vmem>>, vector<1x128x256xf32>
    %get3A_36 = vector.shape_cast %get3A_35 : vector<1x128x256xf32> to vector<128x256xf32>
    %dot_general3A_37 = arith.constant dense<0.000000e+00> : vector<512x256xf32>
    %dot_general3A_38 = tpu.matmul %mul3A_25, %get3A_36, %dot_general3A_37 {dimension_numbers = #tpu.dot_dimension_numbers<[1], [0], [0], [1], [0, 0, 1, 1], [], []>, precision = #tpu.contract_precision<fp32>, transpose_lhs_hint = false} : vector<512x128xf32>, vector<128x256xf32>, vector<512x256xf32> -> vector<512x256xf32>
    %add3A_39 = arith.addf %dot_general3A_31, %dot_general3A_38 : vector<512x256xf32>
    %get3A_40 = arith.constant 0 : index
    %get3A_41 = arith.constant 0 : index
    %get3A_42 = vector.load %arg5[%get3A_40, %get3A_41] : memref<1x256xf32, #tpu.memory_space<vmem>>, vector<1x256xf32>
    %add3A_43 = vector.broadcast %get3A_42 : vector<1x256xf32> to vector<512x256xf32>
    %add3A_44 = arith.addf %add3A_39, %add3A_43 : vector<512x256xf32>
    %max3A = arith.constant 0.000000e+00 : f32
    %max3A_45 = vector.broadcast %max3A : f32 to vector<512x256xf32>
    %max3A_46 = arith.maximumf %add3A_44, %max3A_45 : vector<512x256xf32>
    %get3A_47 = arith.constant 0 : index
    %get3A_48 = arith.constant 0 : index
    %get3A_49 = vector.load %arg6[%get3A_47, %get3A_48] : memref<256x1xf32, #tpu.memory_space<vmem>>, vector<256x1xf32>
    %dot_general3A_50 = arith.constant dense<0.000000e+00> : vector<512x1xf32>
    %dot_general3A_51 = tpu.matmul %max3A_46, %get3A_49, %dot_general3A_50 {dimension_numbers = #tpu.dot_dimension_numbers<[1], [0], [0], [1], [0, 0, 1, 1], [], []>, precision = #tpu.contract_precision<fp32>, transpose_lhs_hint = false} : vector<512x256xf32>, vector<256x1xf32>, vector<512x1xf32> -> vector<512x1xf32>
    %get3A_52 = arith.constant 0 : index
    %get3A_53 = arith.constant 0 : index
    %get3A_54 = vector.load %arg7[%get3A_52, %get3A_53] : memref<1x1xf32, #tpu.memory_space<vmem>>, vector<1x1xf32>
    %add3A_55 = vector.broadcast %get3A_54 : vector<1x1xf32> to vector<512x1xf32>
    %add3A_56 = arith.addf %dot_general3A_51, %add3A_55 : vector<512x1xf32>
    %swap3A = arith.constant 0 : index
    %swap3A_57 = arith.constant 0 : index
    %swap3A_58 = vector.load %arg8[%swap3A, %swap3A_57] : memref<512x1xf32, #tpu.memory_space<vmem>>, vector<512x1xf32>
    tpu.vector_store %arg8[%swap3A, %swap3A_57], %add3A_56 {strides = array<i32>} : memref<512x1xf32, #tpu.memory_space<vmem>>, vector<512x1xf32>,
    return
  }
  func.func @transform_0(%arg0: i32) -> (i32, i32, i32) {
    %c0_i32 = arith.constant 0 : i32
    %c0_i32_0 = arith.constant 0 : i32
    %c0_i32_1 = arith.constant 0 : i32
    return %c0_i32, %arg0, %c0_i32_0 : i32, i32, i32
  }
  func.func @transform_1(%arg0: i32) -> (i32, i32, i32) {
    %c0_i32 = arith.constant 0 : i32
    %c0_i32_0 = arith.constant 0 : i32
    %c0_i32_1 = arith.constant 0 : i32
    return %c0_i32, %arg0, %c0_i32_0 : i32, i32, i32
  }
  func.func @transform_2(%arg0: i32) -> (i32, i32) {
    %c0_i32 = arith.constant 0 : i32
    %c0_i32_0 = arith.constant 0 : i32
    return %arg0, %c0_i32 : i32, i32
  }
  func.func @transform_3(%arg0: i32) -> (i32, i32, i32) {
    %c0_i32 = arith.constant 0 : i32
    %c0_i32_0 = arith.constant 0 : i32
    %c0_i32_1 = arith.constant 0 : i32
    %c0_i32_2 = arith.constant 0 : i32
    return %c0_i32, %c0_i32_0, %c0_i32_1 : i32, i32, i32
  }
  func.func @transform_4(%arg0: i32) -> (i32, i32) {
    %c0_i32 = arith.constant 0 : i32
    %c0_i32_0 = arith.constant 0 : i32
    %c0_i32_1 = arith.constant 0 : i32
    return %c0_i32, %c0_i32_0 : i32, i32
  }
  func.func @transform_5(%arg0: i32) -> (i32, i32) {
    %c0_i32 = arith.constant 0 : i32
    %c0_i32_0 = arith.constant 0 : i32
    %c0_i32_1 = arith.constant 0 : i32
    return %c0_i32, %c0_i32_0 : i32, i32
  }
  func.func @transform_6(%arg0: i32) -> (i32, i32) {
    %c0_i32 = arith.constant 0 : i32
    %c0_i32_0 = arith.constant 0 : i32
    %c0_i32_1 = arith.constant 0 : i32
    return %c0_i32, %c0_i32_0 : i32, i32
  }
  func.func @transform_7(%arg0: i32) -> (i32, i32) {
    %c0_i32 = arith.constant 0 : i32
    %c0_i32_0 = arith.constant 0 : i32
    return %arg0, %c0_i32 : i32, i32
  }
}

</mosaic_0001>

<sc_bundles>
// kernel: kernel.11.cloned.1.call-start
scs
__scs_entry_jumppad:
0x0: {  	(pc) =	sbr.rel $0x88, $3  }
0x1: {  	(tag) =	ssettag $0x0;
	lr =	simm.s32 $0x1  }
0x2: {  	[smem:$0x3F99] =	sst lr;
	_ =	strace $0xD0000000  }
0x3: {  	_ = 	snop  }
0x4: {  	_ = 	snop  }
0x5: {  	_ = 	snop  }
0x6: {  	_ = 	snop  }
0x7: {  	_ = 	snop  }
__scs_overlays_trampoline_lowered:
0x8: {  	[smem:$0x3FA8] =	sst s0  }
0x9: {  	[smem:$0x3FA9] =	sst s1  }
0xa: {  	[smem:$0x3FAA] =	sst s2  }
0xb: {  	[smem:$0x3FAB] =	sst s3  }
0xc: {  	[smem:$0x3FAC] =	sst s4  }
0xd: {  	[smem:$0x3FAD] =	sst s5  }
0xe: {  	[smem:$0x3FAE] =	sst s6  }
0xf: {  	[smem:$0x3FAF] =	sst s7  }
0x10: {  	[smem:$0x3FB0] =	sst s8  }
0x11: {  	[smem:$0x3FB1] =	sst s9;
	s0 =	simm.s32 @!p0 $0x0  }
0x12: {  	s1 =	sld [smem:$0x3F97];
	s0 =	simm.s32 @p0 $0x1  }
0x13: {  	[smem:$0x3FB2] =	sst s0;
	s0 =	simm.s32 @!p1 $0x0  }
0x14: {  	s2 =	sld [smem:$0x3F96];
	s0 =	simm.s32 @p1 $0x1  }
0x15: {  	[smem:$0x3FB3] =	sst s0;
	s0 =	simm.s32 @!p2 $0x0  }
0x16: {  	s3 =	sld [smem:$0x3FDB];
	s0 =	simm.s32 @p2 $0x1  }
0x17: {  	s4 =	simm.s32 $0x1BF5;
	[smem:$0x3FB5] =	sst s0  }
0x18: {  	s0 =	sld [smem:$0x3F98];
	_ =	swait.ge [sflag:s4], $0x0  }
0x19: {  	s7 =	sld [smem:$0x3F99]  }
0x1a: {  	s8 =	sadd.s32 $0xFFFFE003, lr  }
0x1b: {  	s9 =	sadd.s32 $0xFFFFFEF7, lr;
	s5 =	simm.s32 $0xFFFFFFFF;
	p2 =	slt.u32 s8, $0xFFFFF086  }
0x1c: {  	p1 =	slt.u32 s9, $0xF7A;
	s5 =	simm.s32 @!p2 $0x0  }
0x1d: {  	s5 =	simm.s32 @p1 $0x1;
	p0 =	seq.s32 s7, s2  }
0x1e: {  	s7 =	smul.u32 @!p0 $0xF7A, s2;
	p2 =	seq.s32 @!p0 s5, $0x0  }
0x1f: {  	s9 =	smul.u32 $0xF7A, s1;
	s8 =	simm.s32 @!p0 $0x1BF5;
	p2 =	por !p2, p0  }
0x20: {  	[sflag:s8] =	ssyncset.s32 @!p0 $0xFFFFF086;
	s6 =	sadd.s32 @!p0 s3, s7;
	s7 =	simm.s32 @!p0 $0x108  }
0x21: {  	s3 =	sadd.s32 s3, s9;
	s6 =	sadd.s32 @!p0 $0x88, s6;
	s7 =	simm.s32 @p2 $0x1082  }
0x22: {  	[simem:s7], [sflag:s8] =	dma.local @!p0 [hbm:s6], $0xF7A  }
0x23: {  	s9 =	sor.u32 $0xD0000000, s2;
	s6 =	simm.s32 $0x108;
	_ =	swait.ge @!p0 [sflag:s8], $0x0  }
0x24: {  	s3 =	sadd.s32 $0x88, s3;
	s6 =	simm.s32 @!p1 $0x1082;
	[sflag:s4] =	ssyncset.s32 $0xFFFFF086  }
0x25: {  	[simem:s6], [sflag:s4] =	dma.local [hbm:s3], $0xF7A  }
0x26: {  	[smem:$0x3F99] =	sst s1;
	(tag) =	ssettag s2;
	_ =	strace s9  }
0x27: {  	s1 =	sld [smem:$0x3FA9]  }
0x28: {  	s2 =	sld [smem:$0x3FAA]  }
0x29: {  	s4 =	sld [smem:$0x3FAC]  }
0x2a: {  	p0 =	seq.s32 s5, $0x0;
	s5 =	sld [smem:$0x3FAD]  }
0x2b: {  	s6 =	sld [smem:$0x3FAE]  }
0x2c: {  	s7 =	sld [smem:$0x3FAF]  }
0x2d: {  	s3 =	simm.s32 $0x108;
	s8 =	sld [smem:$0x3FB0]  }
0x2e: {  	s3 =	simm.s32 @!p0 $0x1082;
	s9 =	sld [smem:$0x3FB1]  }
0x2f: {  	lr =	sadd.s32 s0, s3;
	s0 =	sld [smem:$0x3FA8]  }
0x30: {  	s3 =	sld [smem:$0x3FAB]  }
0x31: {  	[smem:$0x3FB4] =	sst s10  }
0x32: {  	s10 =	sld [smem:$0x3FB2];
	_ =	sdelay $0x3  }
0x33: {  	p0 =	seq.s32 s10, $0x1;
	s10 =	sld [smem:$0x3FB4];
	_ =	sdelay $0x3  }
0x34: {  	[smem:$0x3FB4] =	sst s10  }
0x35: {  	s10 =	sld [smem:$0x3FB3];
	_ =	sdelay $0x3  }
0x36: {  	p1 =	seq.s32 s10, $0x1;
	s10 =	sld [smem:$0x3FB4];
	_ =	sdelay $0x3  }
0x37: {  	[smem:$0x3FB4] =	sst s10  }
0x38: {  	s10 =	sld [smem:$0x3FB5]  }
0x39: {  	_ = 	snop;
	(pc) =	sbr.ind lr, $3  }
0x3a: {  	_ = 	snop  }
0x3b: {  	_ = 	snop  }
0x3c: {  	p2 =	seq.s32 s10, $0x1;
	s10 =	sld [smem:$0x3FB4]  }
0x3d: {  	_ =	shalt  }
0x3e: {  	_ =	shalt  }
0x3f: {  	_ =	shalt  }
0x40: {  	_ =	shalt  }
0x41: {  	_ =	shalt  }
0x42: {  	_ =	shalt  }
0x43: {  	_ =	shalt  }
0x44: {  	_ =	shalt  }
0x45: {  	_ =	shalt  }
0x46: {  	_ =	shalt  }
0x47: {  	_ =	shalt  }
0x48: {  	_ =	shalt  }
0x49: {  	_ =	shalt  }
0x4a: {  	_ =	shalt  }
0x4b: {  	_ =	shalt  }
0x4c: {  	_ =	shalt  }
0x4d: {  	_ =	shalt  }
0x4e: {  	_ =	shalt  }
0x4f: {  	_ =	shalt  }
0x50: {  	_ =	shalt  }
0x51: {  	_ =	shalt  }
0x52: {  	_ =	shalt  }
0x53: {  	_ =	shalt  }
0x54: {  	_ =	shalt  }
0x55: {  	_ =	shalt  }
0x56: {  	_ =	shalt  }
0x57: {  	_ =	shalt  }
0x58: {  	_ =	shalt  }
0x59: {  	_ =	shalt  }
0x5a: {  	_ =	shalt  }
0x5b: {  	_ =	shalt  }
0x5c: {  	_ =	shalt  }
0x5d: {  	_ =	shalt  }
0x5e: {  	_ =	shalt  }
0x5f: {  	_ =	shalt  }
0x60: {  	_ =	shalt  }
0x61: {  	_ =	shalt  }
0x62: {  	_ =	shalt  }
0x63: {  	_ =	shalt  }
0x64: {  	_ =	shalt  }
0x65: {  	_ =	shalt  }
0x66: {  	_ =	shalt  }
0x67: {  	_ =	shalt  }
0x68: {  	_ =	shalt  }
0x69: {  	_ =	shalt  }
0x6a: {  	_ =	shalt  }
0x6b: {  	_ =	shalt  }
0x6c: {  	_ =	shalt  }
0x6d: {  	_ =	shalt  }
0x6e: {  	_ =	shalt  }
0x6f: {  	_ =	shalt  }
0x70: {  	_ =	shalt  }
0x71: {  	_ =	shalt  }
0x72: {  	_ =	shalt  }
0x73: {  	_ =	shalt  }
0x74: {  	_ =	shalt  }
0x75: {  	_ =	shalt  }
0x76: {  	_ =	shalt  }
0x77: {  	_ =	shalt  }
0x78: {  	_ =	shalt  }
0x79: {  	_ =	shalt  }
0x7a: {  	_ =	shalt  }
0x7b: {  	_ =	shalt  }
0x7c: {  	_ =	shalt  }
0x7d: {  	_ =	shalt  }
0x7e: {  	_ =	shalt  }
0x7f: {  	_ =	shalt  }
0x80: {  	_ =	shalt  }
0x81: {  	_ =	shalt  }
0x82: {  	_ =	shalt  }
0x83: {  	_ =	shalt  }
0x84: {  	_ =	shalt  }
0x85: {  	_ =	shalt  }
0x86: {  	_ =	shalt  }
0x87: {  	_ =	shalt  }
.Lfunc_end0:
.L_simem_size_0:
called_computation.1_lowered:
.L_overlay_start_0:
0x88: {  	s2 =	sld [smem:$0x3FD9]  }
0x89: {  	s3 =	sld [smem:$0x3FFE];
	_ =	sdelay $0x1  }
0x8a: {  	s1 =	srdreg.scid  }
0x8b: {  	s0 =	sand.u32 $0x1, s1  }
0x8c: {  	s16 =	sshll.u32 s0, $0xA;
	s2 =	sadd.s32 s3, s2  }
0x8d: {  	s2 =	sadd.s32 s2, s16  }
0x8e: {  	[smem:$0x3FC0] =	sst s2  }
0x8f: {  	_ = 	snop  }
0x90: {  	(tm) =	ssettm $0x1  }
0x91: {  	s17 =	sld [smem:$0x3FFB];
	_ =	sdelay $0x3  }
0x92: {  	_ =	strace s17  }
0x93: {  	s2 =	sld [smem:$0x3FFC];
	_ =	sdelay $0x3  }
0x94: {  	_ =	strace s2  }
0x95: {  	s2 =	sld [smem:$0x3FFD];
	_ =	sdelay $0x3  }
0x96: {  	_ =	strace s2  }
0x97: {  	_ =	strace $0x8FFFFFFF  }
0x98: {  	s18 =	sld [smem:$0x3FDB];
	_ =	sdelay $0x1  }
0x99: {  	s19 =	simm.s32 $_scs_section_size  }
0x9a: {  	s4 =	simm.s32 $_size__tile_overlayer_lowered;
	s5 =	simm.s32 $_tile_overlayer_lowered  }
0x9b: {  	s22 =	simm.s32 $0x1BFF;
	s21 =	sshll.u32 s5, $0x1;
	s2 =	sadd.s32 s19, s18  }
0x9c: {  	s6 =	simm.s32 $0x0;
	s20 =	sshll.u32 s4, $0x1;
	s4 =	sadd.s32 s21, s2  }
0x9d: {  	[timem:s6], [sflag:s22] =	dma.local [hbm:s4], s20  }
0x9e: {  	_ =	swait.ge [sflag:s22], s20  }
0x9f: {  	s3 =	ssub.s32 $0x0, s20;
	[sflag:s22] =	ssyncset.done $0x0  }
0xa0: {  	[sflag:s22] =	ssyncadd.s32 s3;
	_ =	sdelay $0x1  }
0xa1: {  	s23 =	simm.s32 $0x1B8B  }
0xa2: {  	_ =	swait.ge [sflag:s23], $0x1  }
0xa3: {  	[sflag:s23] =	ssyncset.done $0x0  }
0xa4: {  	s25 =	simm.s32 $0x1B8E;
	s24 =	sld [smem:$0x3FFE];
	[sflag:s23] =	ssyncadd.s32 $0xFFFFFFFF  }
0xa5: {  	s26 =	simm.s32 $execute0_lowered;
	[smem:$0x3FD2] =	sst s25  }
0xa6: {  	s4 =	sshll.u32 s26, $0x1;
	_ =	strace $0x80000049;
	[dreg:$0x1] =	wrdreg $0xFFFFFFFF  }
0xa7: {  	s28 =	simm.s32 $_size_execute0_lowered;
	s2 =	sadd.s32 s2, s4;
	[dreg:$0x0] =	wrdreg $0x0  }
0xa8: {  	s4 =	sshll.u32 s28, $0x1;
	[dreg:$0x2] =	wrdreg s2  }
0xa9: {  	[dreg:$0x3] =	wrdreg s4  }
0xaa: {  	[dreg:$0x4] =	wrdreg $0xC0  }
0xab: {  	_ =	task [dreg:s6], $0x5FFFF  }
0xac: {  	[dreg:$0x1] =	wrdreg $0xFFFFFFFF  }
0xad: {  	[dreg:$0x0] =	wrdreg $0x60  }
0xae: {  	[dreg:$0x2] =	wrdreg s24  }
0xaf: {  	[dreg:$0x3] =	wrdreg $0x3D000  }
0xb0: {  	[dreg:$0x4] =	wrdreg $0x9  }
0xb1: {  	_ =	task.clear_ibuf [dreg:s6], $0x5FFFF;
	_ =	strace $0x90000049  }
0xb2: {  	s29 =	simm.s32 $0x9;
	_ =	strace $0x8000004B  }
0xb3: {  	_ =	swait.ge [sflag:s29], $0x1  }
0xb4: {  	[sflag:s29] =	ssyncadd.s32 $0xFFFFFFFF  }
0xb5: {  	_ =	strace $0x9000004B  }
0xb6: {  	_ =	sfence  }
0xb7: {  	s30 =	sld [smem:$0x0];
	_ =	sdelay $0x2  }
0xb8: {  	s31 =	sshll.u32 s1, $0xD;
	s1 =	sshrl.u32 s1, $0x2  }
0xb9: {  	s3 =	sand.u32 $0x4000, s31;
	s1 =	sadd.s32 s1, s30  }
0xba: {  	s0 =	sor.u32 s3, s0;
	s1 =	sshll.u32 s1, $0x11  }
0xbb: {  	s0 =	sor.u32 s1, s0  }
0xbc: {  	s0 =	sadd.s32 $0x8F2B, s0  }
0xbd: {  	[sflag:s0] =	ssyncadd.remote.s32 $0x1  }
0xbe: {  	_ =	sfence.sel $0xFFFF  }
0xbf: {  	[dreg:$0x0] =	wrdreg $0xFFFFFFFF;
	(pc) =	sbr.abs _section_cstart, $3  }
0xc0: {  	[dreg:$0x1] =	wrdreg $0xFFFFFFFF  }
0xc1: {  	_ =	task.clear_ibuf [dreg:s6], $0x2FFFF;
	_ =	strace $0x9FFFFFFF  }
0xc2: {  	(tm) =	ssettm $0x7FFFFFFF  }
0xc3: {  	_ =	shalt  }
tec
execute0_lowered:
.L_overlay_start_1:
0x0: {  	(tag) =	ssettag $0x1  }
0x1: {  	s0 =	srdreg.scid;
	s1 =	rddreg [dreg:$0x0]  }
0x2: {  	s8 =	stileid.u32;
	s2 =	rddreg [dreg:$0x1]  }
0x3: {  	s3 =	simm.s32 $0x0;
	s28 =	simm.s32 $0x80;
	s5 =	smul.u32 $0x2710, s8  }
0x4: {  	s29 =	simm.s32 $0x50;
	s0 =	sand.u32 $0x1, s0;
	s22 =	smul.u32 $0x50000, s8  }
0x5: {  	s30 =	simm.s32 $0x100;
	s31 =	simm.s32 $0x1;
	s4 =	smul.u32 $0x27100, s0  }
0x6: {  	[smem:$0x7FF] =	sst s3;
	s6 =	smul.u32 $0x140000, s0;
	s0 =	ssub.s32 $0x2, s0  }
0x7: {  	s7 =	smul.u32 $0x14000, s8;
	_ =	strace $0x8000004A;
	s23 =	sshrl.u32 s0, $0x1  }
0x8: {  	s24 =	sshrl.u32 s22, $0x2;
	s5 =	sadd.s32 s5, s4;
	s4 =	sadd.s32 $0x15600, s1  }
0x9: {  	s6 =	sadd.s32 s7, s6;
	s0 =	ssub.s32 s0, s23;
	s5 =	sshrl.u32 s5, $0x3  }
0xa: {  	s6 =	sshrl.u32 s6, $0x3;
	s0 =	smax.u32 s0, $0x1;
	s5 =	sadd.s32 s5, s1  }
0xb: {  	s1 =	sadd.s32 s6, s1;
	s6 =	sadd.s32 s24, s2;
	[dreg:$0x4] =	wrdreg s0  }
0xc: {  	s1 =	sadd.s32 $0x3D600, s1;
	s25 =	sadd.s32 $0x1400, s6;
	s26 =	sadd.s32 $0x2800, s6  }
0xd: {  	s10 =	sadd.s32 $0x3C00, s6;
	s11 =	sadd.s32 $0x5000, s6;
	s12 =	sadd.s32 $0x6400, s6  }
0xe: {  	s13 =	sadd.s32 $0x7800, s6;
	s14 =	sadd.s32 $0x8C00, s6;
	s15 =	sadd.s32 $0xA000, s6  }
0xf: {  	s16 =	sadd.s32 $0xB400, s6;
	s17 =	sadd.s32 $0xC800, s6;
	s18 =	sadd.s32 $0xDC00, s6  }
0x10: {  	s19 =	sadd.s32 $0xF000, s6;
	s20 =	sadd.s32 $0x10400, s6;
	[dreg:$0x3] =	wrdreg s1  }
0x11: {  	s21 =	sadd.s32 $0x11800, s6;
	s22 =	sadd.s32 $0x12C00, s6;
	[dreg:$0x5] =	wrdreg s25  }
0x12: {  	s23 =	sadd.s32 $0xB800, s5;
	s24 =	sadd.s32 $0x1A00, s5;
	[dreg:$0x6] =	wrdreg s26  }
0x13: {  	v0 =	vimm.f32 $0.0e+00;
	s25 =	simm.s32 $0x2900;
	s26 =	simm.s32 $0x2;
	s1 =	simm.s32 $0x0  }
.LBB2_1:
0x14: {  	s0 =	simm.s32 $0x0;
	s5 =	simm.s32 $0x200  }
.LBB2_2:
0x15: {  	p0 =	sne.s32 s5, $0x4E00;
	[tilespmem:s0+$0x2970] =	vst v0  }
0x16: {  	[tilespmem:s0+$0x2900] =	vst v0  }
0x17: {  	[tilespmem:s0+$0x2910] =	vst v0  }
.Ltmp0:
0x18: {  	[tilespmem:s0+$0x2920] =	vst v0;
	(pc) =	sbr.rel @p0 .LBB2_2-.Ltmp0, $4  }
0x19: {  	[tilespmem:s0+$0x2930] =	vst v0  }
0x1a: {  	[tilespmem:s0+$0x2940] =	vst v0  }
0x1b: {  	[tilespmem:s0+$0x2950] =	vst v0  }
0x1c: {  	[tilespmem:s0+$0x2960] =	vst v0;
	s0 =	sshra.s32 s5, $0x2;
	s5 =	sadd.s32 $0x200, s5  }
0x1d: {  	[tilespmem:s0+$0x2970] =	vst v0  }
0x1e: {  	[tilespmem:s0+$0x2900] =	vst v0  }
0x1f: {  	[tilespmem:s0+$0x2910] =	vst v0  }
0x20: {  	[tilespmem:s0+$0x2920] =	vst v0  }
0x21: {  	[tilespmem:s0+$0x2930] =	vst v0  }
0x22: {  	[tilespmem:s0+$0x2940] =	vst v0  }
0x23: {  	[tilespmem:s0+$0x2950] =	vst v0  }
0x24: {  	[tilespmem:s0+$0x2960] =	vst v0  }
0x25: {  	[spmem:s6] =	stream.linear.scatter [tilespmem:s25], [sflag:$0x2], $0x1400, $0x38;
	[tilespmem:$0x17D00] =	vst v63  }
0x26: {  	_ =	swait.ge [sflag:s26], $0x1400  }
0x27: {  	[sflag:s26] =	ssyncset.done $0x0  }
0x28: {  	s5 =	rddreg [dreg:$0x5];
	[sflag:s26] =	ssyncadd.s32 $0xFFFFEC00  }
0x29: {  	[spmem:s5] =	stream.linear.scatter [tilespmem:s25], [sflag:$0x2], $0x1400, $0x38;
	[tilespmem:$0x17D00] =	vst v63  }
0x2a: {  	_ =	swait.ge [sflag:s26], $0x1400  }
0x2b: {  	[sflag:s26] =	ssyncset.done $0x0  }
0x2c: {  	s7 =	rddreg [dreg:$0x6];
	[sflag:s26] =	ssyncadd.s32 $0xFFFFEC00  }
0x2d: {  	[spmem:s7] =	stream.linear.scatter [tilespmem:s25], [sflag:$0x2], $0x1400, $0x38;
	[tilespmem:$0x17D00] =	vst v63  }
0x2e: {  	_ =	swait.ge [sflag:s26], $0x1400  }
0x2f: {  	[sflag:s26] =	ssyncset.done $0x0  }
0x30: {  	[sflag:s26] =	ssyncadd.s32 $0xFFFFEC00  }
0x31: {  	[spmem:s10] =	stream.linear.scatter [tilespmem:s25], [sflag:$0x2], $0x1400, $0x38;
	[tilespmem:$0x17D00] =	vst v63  }
0x32: {  	_ =	swait.ge [sflag:s26], $0x1400  }
0x33: {  	[sflag:s26] =	ssyncset.done $0x0  }
0x34: {  	[sflag:s26] =	ssyncadd.s32 $0xFFFFEC00  }
0x35: {  	[spmem:s11] =	stream.linear.scatter [tilespmem:s25], [sflag:$0x2], $0x1400, $0x38;
	[tilespmem:$0x17D00] =	vst v63  }
0x36: {  	_ =	swait.ge [sflag:s26], $0x1400  }
0x37: {  	[sflag:s26] =	ssyncset.done $0x0  }
0x38: {  	[sflag:s26] =	ssyncadd.s32 $0xFFFFEC00  }
0x39: {  	[spmem:s12] =	stream.linear.scatter [tilespmem:s25], [sflag:$0x2], $0x1400, $0x38;
	[tilespmem:$0x17D00] =	vst v63  }
0x3a: {  	_ =	swait.ge [sflag:s26], $0x1400  }
0x3b: {  	[sflag:s26] =	ssyncset.done $0x0  }
0x3c: {  	[sflag:s26] =	ssyncadd.s32 $0xFFFFEC00  }
0x3d: {  	[spmem:s13] =	stream.linear.scatter [tilespmem:s25], [sflag:$0x2], $0x1400, $0x38;
	[tilespmem:$0x17D00] =	vst v63  }
0x3e: {  	_ =	swait.ge [sflag:s26], $0x1400  }
0x3f: {  	[sflag:s26] =	ssyncset.done $0x0  }
0x40: {  	[sflag:s26] =	ssyncadd.s32 $0xFFFFEC00  }
0x41: {  	[spmem:s14] =	stream.linear.scatter [tilespmem:s25], [sflag:$0x2], $0x1400, $0x38;
	[tilespmem:$0x17D00] =	vst v63  }
0x42: {  	_ =	swait.ge [sflag:s26], $0x1400  }
0x43: {  	[sflag:s26] =	ssyncset.done $0x0  }
0x44: {  	[sflag:s26] =	ssyncadd.s32 $0xFFFFEC00  }
0x45: {  	[spmem:s15] =	stream.linear.scatter [tilespmem:s25], [sflag:$0x2], $0x1400, $0x38;
	[tilespmem:$0x17D00] =	vst v63  }
0x46: {  	_ =	swait.ge [sflag:s26], $0x1400  }
0x47: {  	[sflag:s26] =	ssyncset.done $0x0  }
0x48: {  	[sflag:s26] =	ssyncadd.s32 $0xFFFFEC00  }
0x49: {  	[spmem:s16] =	stream.linear.scatter [tilespmem:s25], [sflag:$0x2], $0x1400, $0x38;
	[tilespmem:$0x17D00] =	vst v63  }
0x4a: {  	_ =	swait.ge [sflag:s26], $0x1400  }
0x4b: {  	[sflag:s26] =	ssyncset.done $0x0  }
0x4c: {  	[sflag:s26] =	ssyncadd.s32 $0xFFFFEC00  }
0x4d: {  	[spmem:s17] =	stream.linear.scatter [tilespmem:s25], [sflag:$0x2], $0x1400, $0x38;
	[tilespmem:$0x17D00] =	vst v63  }
0x4e: {  	_ =	swait.ge [sflag:s26], $0x1400  }
0x4f: {  	[sflag:s26] =	ssyncset.done $0x0  }
0x50: {  	[sflag:s26] =	ssyncadd.s32 $0xFFFFEC00  }
0x51: {  	[spmem:s18] =	stream.linear.scatter [tilespmem:s25], [sflag:$0x2], $0x1400, $0x38;
	[tilespmem:$0x17D00] =	vst v63  }
0x52: {  	_ =	swait.ge [sflag:s26], $0x1400  }
0x53: {  	[sflag:s26] =	ssyncset.done $0x0  }
0x54: {  	[sflag:s26] =	ssyncadd.s32 $0xFFFFEC00  }
0x55: {  	[spmem:s19] =	stream.linear.scatter [tilespmem:s25], [sflag:$0x2], $0x1400, $0x38;
	[tilespmem:$0x17D00] =	vst v63  }
0x56: {  	_ =	swait.ge [sflag:s26], $0x1400  }
0x57: {  	[sflag:s26] =	ssyncset.done $0x0  }
0x58: {  	[sflag:s26] =	ssyncadd.s32 $0xFFFFEC00  }
0x59: {  	[spmem:s20] =	stream.linear.scatter [tilespmem:s25], [sflag:$0x2], $0x1400, $0x38;
	[tilespmem:$0x17D00] =	vst v63  }
0x5a: {  	_ =	swait.ge [sflag:s26], $0x1400  }
0x5b: {  	[sflag:s26] =	ssyncset.done $0x0  }
0x5c: {  	[sflag:s26] =	ssyncadd.s32 $0xFFFFEC00  }
0x5d: {  	[spmem:s21] =	stream.linear.scatter [tilespmem:s25], [sflag:$0x2], $0x1400, $0x38;
	[tilespmem:$0x17D00] =	vst v63  }
0x5e: {  	_ =	swait.ge [sflag:s26], $0x1400  }
0x5f: {  	[sflag:s26] =	ssyncset.done $0x0  }
0x60: {  	[sflag:s26] =	ssyncadd.s32 $0xFFFFEC00  }
0x61: {  	[spmem:s22] =	stream.linear.scatter [tilespmem:s25], [sflag:$0x2], $0x1400, $0x38;
	[tilespmem:$0x17D00] =	vst v63  }
0x62: {  	_ =	swait.ge [sflag:s26], $0x1400  }
0x63: {  	[sflag:s26] =	ssyncset.done $0x0  }
0x64: {  	[sflag:s26] =	ssyncadd.s32 $0xFFFFEC00  }
0x65: {  	s8 =	sadd.s32 $0x0, s24;
	[bflag:$0x0] =	sbarrier.arrive $0xFFFF  }
0x66: {  	[tilespmem:s3], [sflag:$0x2] =	stream.linear.gather [hbm4b:s8+s3], $0x50, $0x38;
	[tilespmem:$0x17D00] =	vst v63  }
0x67: {  	_ =	swait.ge [sflag:s26], $0x50  }
0x68: {  	[sflag:s26] =	ssyncset.done $0x0  }
0x69: {  	s9 =	sadd.s32 $0x0, s23;
	[sflag:s26] =	ssyncadd.s32 $0xFFFFFFB0  }
0x6a: {  	[tilespmem:s28], [sflag:$0x2] =	stream.linear.gather [hbm4b:s9+s3], $0x50, $0x38;
	[tilespmem:$0x17D00] =	vst v63  }
0x6b: {  	_ =	swait.ge [sflag:s26], $0x50  }
0x6c: {  	[sflag:s26] =	ssyncset.done $0x0  }
0x6d: {  	[sflag:s26] =	ssyncadd.s32 $0xFFFFFFB0  }
0x6e: {  	[tilespmem:s30], [sflag:$0x1] =	stream.indirect.gather [hbm4b:s4+s29], $0x80, s3, s29, $0xb8;
	[tilespmem:$0x17D00] =	vst v63  }
0x6f: {  	_ =	swait.ge [sflag:s31], $0x2800  }
0x70: {  	[sflag:s31] =	ssyncset.done $0x0  }
0x71: {  	[sflag:s31] =	ssyncadd.s32 $0xFFFFD800  }
0x72: {  	[spmem:s2] =	stream.indirect.scatter.add.f32 [tilespmem:s30], [sflag:$0x2], $0x80, s28, s29, $0xb8;
	[tilespmem:$0x17D00] =	vst v63  }
0x73: {  	_ =	swait.ge [sflag:s26], $0x2800  }
0x74: {  	s0 =	simm.s32 $0xA;
	s5 =	simm.s32 $0x14;
	[sflag:s26] =	ssyncset.done $0x0  }
.LBB2_4:
0x75: {  	s7 =	sadd.s32 s0, s24  }
0x76: {  	[sflag:s26] =	ssyncadd.s32 $0xFFFFD800;
	s8 =	smov.u32 s5;
	s9 =	sadd.s32 $0xA, s5  }
0x77: {  	[tilespmem:s3], [sflag:$0x2] =	stream.linear.gather [hbm4b:s7+s3], $0x50, $0x38;
	[tilespmem:$0x17D00] =	vst v63  }
0x78: {  	p0 =	sne.s32 s5, $0x4D8;
	_ =	swait.ge [sflag:s26], $0x50  }
0x79: {  	[sflag:s26] =	ssyncset.done $0x0  }
0x7a: {  	s5 =	sadd.s32 s0, s23;
	s0 =	smov.u32 s8;
	[sflag:s26] =	ssyncadd.s32 $0xFFFFFFB0  }
0x7b: {  	[tilespmem:s28], [sflag:$0x2] =	stream.linear.gather [hbm4b:s5+s3], $0x50, $0x38;
	[tilespmem:$0x17D00] =	vst v63  }
0x7c: {  	_ =	swait.ge [sflag:s26], $0x50  }
0x7d: {  	[sflag:s26] =	ssyncset.done $0x0  }
0x7e: {  	[sflag:s26] =	ssyncadd.s32 $0xFFFFFFB0  }
0x7f: {  	[tilespmem:s30], [sflag:$0x1] =	stream.indirect.gather [hbm4b:s4+s29], $0x80, s3, s29, $0xb8;
	[tilespmem:$0x17D00] =	vst v63  }
0x80: {  	_ =	swait.ge [sflag:s31], $0x2800  }
.Ltmp1:
0x81: {  	[sflag:s31] =	ssyncset.done $0x0;
	(pc) =	sbr.rel @p0 .LBB2_4-.Ltmp1, $4  }
0x82: {  	[sflag:s31] =	ssyncadd.s32 $0xFFFFD800  }
0x83: {  	[spmem:s2] =	stream.indirect.scatter.add.f32 [tilespmem:s30], [sflag:$0x2], $0x80, s28, s29, $0xb8;
	[tilespmem:$0x17D00] =	vst v63  }
0x84: {  	_ =	swait.ge [sflag:s26], $0x2800  }
0x85: {  	s5 =	smov.u32 s9;
	[sflag:s26] =	ssyncset.done $0x0  }
0x86: {  	s5 =	sadd.s32 s0, s24;
	[sflag:s26] =	ssyncadd.s32 $0xFFFFD800  }
0x87: {  	[tilespmem:s3], [sflag:$0x2] =	stream.linear.gather [hbm4b:s5+s3], $0x50, $0x38;
	[tilespmem:$0x17D00] =	vst v63  }
0x88: {  	_ =	swait.ge [sflag:s26], $0x50  }
0x89: {  	[sflag:s26] =	ssyncset.done $0x0  }
0x8a: {  	s5 =	sadd.s32 s0, s23;
	[sflag:s26] =	ssyncadd.s32 $0xFFFFFFB0  }
0x8b: {  	[tilespmem:s28], [sflag:$0x2] =	stream.linear.gather [hbm4b:s5+s3], $0x50, $0x38;
	[tilespmem:$0x17D00] =	vst v63  }
0x8c: {  	_ =	swait.ge [sflag:s26], $0x50  }
0x8d: {  	[sflag:s26] =	ssyncset.done $0x0  }
0x8e: {  	[sflag:s26] =	ssyncadd.s32 $0xFFFFFFB0  }
0x8f: {  	[tilespmem:s30], [sflag:$0x1] =	stream.indirect.gather [hbm4b:s4+s29], $0x80, s3, s29, $0xb8;
	[tilespmem:$0x17D00] =	vst v63  }
0x90: {  	_ =	swait.ge [sflag:s31], $0x2800  }
0x91: {  	[sflag:s31] =	ssyncset.done $0x0  }
0x92: {  	[sflag:s31] =	ssyncadd.s32 $0xFFFFD800  }
0x93: {  	[spmem:s2] =	stream.indirect.scatter.add.f32 [tilespmem:s30], [sflag:$0x2], $0x80, s28, s29, $0xb8;
	[tilespmem:$0x17D00] =	vst v63  }
0x94: {  	_ =	swait.ge [sflag:s26], $0x2800  }
0x95: {  	[sflag:s26] =	ssyncset.done $0x0  }
0x96: {  	s7 =	stileid.u32;
	[sflag:s26] =	ssyncadd.s32 $0xFFFFD800  }
0x97: {  	s0 =	sshll.u32 s7, $0x6;
	[bflag:$0x0] =	sbarrier.arrive $0xFFFF  }
0x98: {  	s8 =	sshrl.u32 s6, $0x3;
	s0 =	sor.u32 $0x1C02, s0;
	s7 =	rddreg [dreg:$0x3]  }
0x99: {  	[hbm:s7], [sflag:s0] =	dma.local [spmem:s8], $0x2800  }
0x9a: {  	_ =	swait.ge [sflag:s26], $0x2800  }
0x9b: {  	s1 =	sadd.s32 $0x1, s1;
	s9 =	rddreg [dreg:$0x4]  }
0x9c: {  	p0 =	sne.s32 s1, s9  }
.Ltmp2:
0x9d: {  	_ = 	snop;
	(pc) =	sbr.rel @p0 .LBB2_1-.Ltmp2, $3  }
0x9e: {  	_ =	sdelay $0x1  }
0x9f: {  	[sflag:s26] =	ssyncset.done $0x0  }
0xa0: {  	[sflag:s26] =	ssyncadd.s32 $0xFFFFD800  }
0xa1: {  	_ =	sfence.sel $0x180000  }
0xa2: {  	[bflag:$0x0] =	sbarrier.arrive $0xFFFF  }
0xa3: {  	_ =	strace $0x9000004A  }
0xa4: {  	s0 =	stileid.u32;
	[bflag:$0x2] =	sbarrier.arrive $0xFFFF  }
0xa5: {  	p0 =	sne.s32 s0, $0x0;
	s0 =	rddreg [dreg:$0x2]  }
0xa6: {  	s0 =	sadd.s32 @!p0 $0x100000, s0  }
0xa7: {  	[sflag:s0] =	ssyncadd.tile.s32 @!p0 $0x1;
	_ =	shalt  }
.Lfunc_end2:
_tile_overlayer_lowered:
.L_overlay_start_2:
0xa8: {  	(tag) =	ssettag $0x2  }
0xa9: {  	s0 =	rddreg [dreg:$0x0];
	s2 =	stileid.u32  }
0xaa: {  	s1 =	rddreg [dreg:$0x1];
	p0 =	sne.s32 s2, $0x0  }
0xab: {  	s3 =	rddreg [dreg:$0x2];
	[bflag:$0x3] =	sbarrier.arrive $0xFFFF;
	s2 =	simm.s32 @!p0 $0x1C02  }
0xac: {  	[timem:s3], [sflag:s2] =	dma.local @!p0 [hbm:s0], s1  }
0xad: {  	s0 =	simm.s32 @!p0 $0x2  }
0xae: {  	_ =	swait.ge @!p0 [sflag:s0], s1  }
0xaf: {  	s1 =	ssub.s32 @!p0 $0x0, s1;
	[sflag:s0] =	ssyncset.done @!p0 $0x0  }
0xb0: {  	[sflag:s0] =	ssyncadd.s32 @!p0 s1  }
0xb1: {  	[bflag:$0x3] =	sbarrier.arrive $0xFFFF  }
0xb2: {  	_ =	shalt  }

// kernel: kernel.14.cloned.1.call-start
scs
__scs_entry_jumppad:
0x0: {  	(pc) =	sbr.rel $0x88, $3  }
0x1: {  	(tag) =	ssettag $0x0;
	lr =	simm.s32 $0x1  }
0x2: {  	[smem:$0x3F99] =	sst lr;
	_ =	strace $0xD0000000  }
0x3: {  	_ = 	snop  }
0x4: {  	_ = 	snop  }
0x5: {  	_ = 	snop  }
0x6: {  	_ = 	snop  }
0x7: {  	_ = 	snop  }
__scs_overlays_trampoline_lowered:
0x8: {  	[smem:$0x3FA8] =	sst s0  }
0x9: {  	[smem:$0x3FA9] =	sst s1  }
0xa: {  	[smem:$0x3FAA] =	sst s2  }
0xb: {  	[smem:$0x3FAB] =	sst s3  }
0xc: {  	[smem:$0x3FAC] =	sst s4  }
0xd: {  	[smem:$0x3FAD] =	sst s5  }
0xe: {  	[smem:$0x3FAE] =	sst s6  }
0xf: {  	[smem:$0x3FAF] =	sst s7  }
0x10: {  	[smem:$0x3FB0] =	sst s8  }
0x11: {  	[smem:$0x3FB1] =	sst s9;
	s0 =	simm.s32 @!p0 $0x0  }
0x12: {  	s1 =	sld [smem:$0x3F97];
	s0 =	simm.s32 @p0 $0x1  }
0x13: {  	[smem:$0x3FB2] =	sst s0;
	s0 =	simm.s32 @!p1 $0x0  }
0x14: {  	s2 =	sld [smem:$0x3F96];
	s0 =	simm.s32 @p1 $0x1  }
0x15: {  	[smem:$0x3FB3] =	sst s0;
	s0 =	simm.s32 @!p2 $0x0  }
0x16: {  	s3 =	sld [smem:$0x3FDB];
	s0 =	simm.s32 @p2 $0x1  }
0x17: {  	s4 =	simm.s32 $0x1BF5;
	[smem:$0x3FB5] =	sst s0  }
0x18: {  	s0 =	sld [smem:$0x3F98];
	_ =	swait.ge [sflag:s4], $0x0  }
0x19: {  	s7 =	sld [smem:$0x3F99]  }
0x1a: {  	s8 =	sadd.s32 $0xFFFFE003, lr  }
0x1b: {  	s9 =	sadd.s32 $0xFFFFFEF7, lr;
	s5 =	simm.s32 $0xFFFFFFFF;
	p2 =	slt.u32 s8, $0xFFFFF086  }
0x1c: {  	p1 =	slt.u32 s9, $0xF7A;
	s5 =	simm.s32 @!p2 $0x0  }
0x1d: {  	s5 =	simm.s32 @p1 $0x1;
	p0 =	seq.s32 s7, s2  }
0x1e: {  	s7 =	smul.u32 @!p0 $0xF7A, s2;
	p2 =	seq.s32 @!p0 s5, $0x0  }
0x1f: {  	s9 =	smul.u32 $0xF7A, s1;
	s8 =	simm.s32 @!p0 $0x1BF5;
	p2 =	por !p2, p0  }
0x20: {  	[sflag:s8] =	ssyncset.s32 @!p0 $0xFFFFF086;
	s6 =	sadd.s32 @!p0 s3, s7;
	s7 =	simm.s32 @!p0 $0x108  }
0x21: {  	s3 =	sadd.s32 s3, s9;
	s6 =	sadd.s32 @!p0 $0x88, s6;
	s7 =	simm.s32 @p2 $0x1082  }
0x22: {  	[simem:s7], [sflag:s8] =	dma.local @!p0 [hbm:s6], $0xF7A  }
0x23: {  	s9 =	sor.u32 $0xD0000000, s2;
	s6 =	simm.s32 $0x108;
	_ =	swait.ge @!p0 [sflag:s8], $0x0  }
0x24: {  	s3 =	sadd.s32 $0x88, s3;
	s6 =	simm.s32 @!p1 $0x1082;
	[sflag:s4] =	ssyncset.s32 $0xFFFFF086  }
0x25: {  	[simem:s6], [sflag:s4] =	dma.local [hbm:s3], $0xF7A  }
0x26: {  	[smem:$0x3F99] =	sst s1;
	(tag) =	ssettag s2;
	_ =	strace s9  }
0x27: {  	s1 =	sld [smem:$0x3FA9]  }
0x28: {  	s2 =	sld [smem:$0x3FAA]  }
0x29: {  	s4 =	sld [smem:$0x3FAC]  }
0x2a: {  	p0 =	seq.s32 s5, $0x0;
	s5 =	sld [smem:$0x3FAD]  }
0x2b: {  	s6 =	sld [smem:$0x3FAE]  }
0x2c: {  	s7 =	sld [smem:$0x3FAF]  }
0x2d: {  	s3 =	simm.s32 $0x108;
	s8 =	sld [smem:$0x3FB0]  }
0x2e: {  	s3 =	simm.s32 @!p0 $0x1082;
	s9 =	sld [smem:$0x3FB1]  }
0x2f: {  	lr =	sadd.s32 s0, s3;
	s0 =	sld [smem:$0x3FA8]  }
0x30: {  	s3 =	sld [smem:$0x3FAB]  }
0x31: {  	[smem:$0x3FB4] =	sst s10  }
0x32: {  	s10 =	sld [smem:$0x3FB2];
	_ =	sdelay $0x3  }
0x33: {  	p0 =	seq.s32 s10, $0x1;
	s10 =	sld [smem:$0x3FB4];
	_ =	sdelay $0x3  }
0x34: {  	[smem:$0x3FB4] =	sst s10  }
0x35: {  	s10 =	sld [smem:$0x3FB3];
	_ =	sdelay $0x3  }
0x36: {  	p1 =	seq.s32 s10, $0x1;
	s10 =	sld [smem:$0x3FB4];
	_ =	sdelay $0x3  }
0x37: {  	[smem:$0x3FB4] =	sst s10  }
0x38: {  	s10 =	sld [smem:$0x3FB5]  }
0x39: {  	_ = 	snop;
	(pc) =	sbr.ind lr, $3  }
0x3a: {  	_ = 	snop  }
0x3b: {  	_ = 	snop  }
0x3c: {  	p2 =	seq.s32 s10, $0x1;
	s10 =	sld [smem:$0x3FB4]  }
0x3d: {  	_ =	shalt  }
0x3e: {  	_ =	shalt  }
0x3f: {  	_ =	shalt  }
0x40: {  	_ =	shalt  }
0x41: {  	_ =	shalt  }
0x42: {  	_ =	shalt  }
0x43: {  	_ =	shalt  }
0x44: {  	_ =	shalt  }
0x45: {  	_ =	shalt  }
0x46: {  	_ =	shalt  }
0x47: {  	_ =	shalt  }
0x48: {  	_ =	shalt  }
0x49: {  	_ =	shalt  }
0x4a: {  	_ =	shalt  }
0x4b: {  	_ =	shalt  }
0x4c: {  	_ =	shalt  }
0x4d: {  	_ =	shalt  }
0x4e: {  	_ =	shalt  }
0x4f: {  	_ =	shalt  }
0x50: {  	_ =	shalt  }
0x51: {  	_ =	shalt  }
0x52: {  	_ =	shalt  }
0x53: {  	_ =	shalt  }
0x54: {  	_ =	shalt  }
0x55: {  	_ =	shalt  }
0x56: {  	_ =	shalt  }
0x57: {  	_ =	shalt  }
0x58: {  	_ =	shalt  }
0x59: {  	_ =	shalt  }
0x5a: {  	_ =	shalt  }
0x5b: {  	_ =	shalt  }
0x5c: {  	_ =	shalt  }
0x5d: {  	_ =	shalt  }
0x5e: {  	_ =	shalt  }
0x5f: {  	_ =	shalt  }
0x60: {  	_ =	shalt  }
0x61: {  	_ =	shalt  }
0x62: {  	_ =	shalt  }
0x63: {  	_ =	shalt  }
0x64: {  	_ =	shalt  }
0x65: {  	_ =	shalt  }
0x66: {  	_ =	shalt  }
0x67: {  	_ =	shalt  }
0x68: {  	_ =	shalt  }
0x69: {  	_ =	shalt  }
0x6a: {  	_ =	shalt  }
0x6b: {  	_ =	shalt  }
0x6c: {  	_ =	shalt  }
0x6d: {  	_ =	shalt  }
0x6e: {  	_ =	shalt  }
0x6f: {  	_ =	shalt  }
0x70: {  	_ =	shalt  }
0x71: {  	_ =	shalt  }
0x72: {  	_ =	shalt  }
0x73: {  	_ =	shalt  }
0x74: {  	_ =	shalt  }
0x75: {  	_ =	shalt  }
0x76: {  	_ =	shalt  }
0x77: {  	_ =	shalt  }
0x78: {  	_ =	shalt  }
0x79: {  	_ =	shalt  }
0x7a: {  	_ =	shalt  }
0x7b: {  	_ =	shalt  }
0x7c: {  	_ =	shalt  }
0x7d: {  	_ =	shalt  }
0x7e: {  	_ =	shalt  }
0x7f: {  	_ =	shalt  }
0x80: {  	_ =	shalt  }
0x81: {  	_ =	shalt  }
0x82: {  	_ =	shalt  }
0x83: {  	_ =	shalt  }
0x84: {  	_ =	shalt  }
0x85: {  	_ =	shalt  }
0x86: {  	_ =	shalt  }
0x87: {  	_ =	shalt  }
.Lfunc_end0:
.L_simem_size_0:
called_computation.2_lowered:
.L_overlay_start_0:
0x88: {  	s2 =	sld [smem:$0x3FD9]  }
0x89: {  	s3 =	sld [smem:$0x3FFE];
	_ =	sdelay $0x1  }
0x8a: {  	s1 =	srdreg.scid  }
0x8b: {  	s0 =	sand.u32 $0x1, s1  }
0x8c: {  	s16 =	sshll.u32 s0, $0xA;
	s2 =	sadd.s32 s3, s2  }
0x8d: {  	s2 =	sadd.s32 s2, s16  }
0x8e: {  	[smem:$0x3FC0] =	sst s2  }
0x8f: {  	_ = 	snop  }
0x90: {  	(tm) =	ssettm $0x1  }
0x91: {  	s17 =	sld [smem:$0x3FFB];
	_ =	sdelay $0x3  }
0x92: {  	_ =	strace s17  }
0x93: {  	s2 =	sld [smem:$0x3FFC];
	_ =	sdelay $0x3  }
0x94: {  	_ =	strace s2  }
0x95: {  	s2 =	sld [smem:$0x3FFD];
	_ =	sdelay $0x3  }
0x96: {  	_ =	strace s2  }
0x97: {  	_ =	strace $0x8FFFFFFF  }
0x98: {  	s18 =	sld [smem:$0x3FDB];
	_ =	sdelay $0x1  }
0x99: {  	s19 =	simm.s32 $_scs_section_size  }
0x9a: {  	s4 =	simm.s32 $_size__tile_overlayer_lowered;
	s5 =	simm.s32 $_tile_overlayer_lowered  }
0x9b: {  	s22 =	simm.s32 $0x1BFF;
	s21 =	sshll.u32 s5, $0x1;
	s2 =	sadd.s32 s19, s18  }
0x9c: {  	s6 =	simm.s32 $0x0;
	s20 =	sshll.u32 s4, $0x1;
	s4 =	sadd.s32 s21, s2  }
0x9d: {  	[timem:s6], [sflag:s22] =	dma.local [hbm:s4], s20  }
0x9e: {  	_ =	swait.ge [sflag:s22], s20  }
0x9f: {  	s3 =	ssub.s32 $0x0, s20;
	[sflag:s22] =	ssyncset.done $0x0  }
0xa0: {  	[sflag:s22] =	ssyncadd.s32 s3;
	_ =	sdelay $0x1  }
0xa1: {  	s23 =	simm.s32 $0x1B8B  }
0xa2: {  	_ =	swait.ge [sflag:s23], $0x1  }
0xa3: {  	[sflag:s23] =	ssyncset.done $0x0  }
0xa4: {  	s25 =	simm.s32 $0x1B8E;
	s24 =	sld [smem:$0x3FFE];
	[sflag:s23] =	ssyncadd.s32 $0xFFFFFFFF  }
0xa5: {  	s26 =	simm.s32 $execute0_lowered;
	[smem:$0x3FD2] =	sst s25  }
0xa6: {  	s4 =	sshll.u32 s26, $0x1;
	_ =	strace $0x8000004C;
	[dreg:$0x1] =	wrdreg $0xFFFFFFFF  }
0xa7: {  	s28 =	simm.s32 $_size_execute0_lowered;
	s2 =	sadd.s32 s2, s4;
	[dreg:$0x0] =	wrdreg $0x0  }
0xa8: {  	s4 =	sshll.u32 s28, $0x1;
	[dreg:$0x2] =	wrdreg s2  }
0xa9: {  	[dreg:$0x3] =	wrdreg s4  }
0xaa: {  	[dreg:$0x4] =	wrdreg $0xC0  }
0xab: {  	_ =	task [dreg:s6], $0x5FFFF  }
0xac: {  	[dreg:$0x1] =	wrdreg $0xFFFFFFFF  }
0xad: {  	[dreg:$0x0] =	wrdreg $0x60  }
0xae: {  	[dreg:$0x2] =	wrdreg s24  }
0xaf: {  	[dreg:$0x3] =	wrdreg $0x3D000  }
0xb0: {  	[dreg:$0x4] =	wrdreg $0x9  }
0xb1: {  	_ =	task.clear_ibuf [dreg:s6], $0x5FFFF;
	_ =	strace $0x9000004C  }
0xb2: {  	s29 =	simm.s32 $0x9;
	_ =	strace $0x8000004E  }
0xb3: {  	_ =	swait.ge [sflag:s29], $0x1  }
0xb4: {  	[sflag:s29] =	ssyncadd.s32 $0xFFFFFFFF  }
0xb5: {  	_ =	strace $0x9000004E  }
0xb6: {  	_ =	sfence  }
0xb7: {  	s30 =	sld [smem:$0x0];
	_ =	sdelay $0x2  }
0xb8: {  	s31 =	sshll.u32 s1, $0xD;
	s1 =	sshrl.u32 s1, $0x2  }
0xb9: {  	s3 =	sand.u32 $0x4000, s31;
	s1 =	sadd.s32 s1, s30  }
0xba: {  	s0 =	sor.u32 s3, s0;
	s1 =	sshll.u32 s1, $0x11  }
0xbb: {  	s0 =	sor.u32 s1, s0  }
0xbc: {  	s0 =	sadd.s32 $0x8F2B, s0  }
0xbd: {  	[sflag:s0] =	ssyncadd.remote.s32 $0x1  }
0xbe: {  	_ =	sfence.sel $0xFFFF  }
0xbf: {  	[dreg:$0x0] =	wrdreg $0xFFFFFFFF;
	(pc) =	sbr.abs _section_cstart, $3  }
0xc0: {  	[dreg:$0x1] =	wrdreg $0xFFFFFFFF  }
0xc1: {  	_ =	task.clear_ibuf [dreg:s6], $0x2FFFF;
	_ =	strace $0x9FFFFFFF  }
0xc2: {  	(tm) =	ssettm $0x7FFFFFFF  }
0xc3: {  	_ =	shalt  }
tec
execute0_lowered:
.L_overlay_start_1:
0x0: {  	(tag) =	ssettag $0x1  }
0x1: {  	s0 =	rddreg [dreg:$0x0]  }
0x2: {  	s1 =	rddreg [dreg:$0x1];
	s2 =	srdreg.scid  }
0x3: {  	s3 =	simm.s32 $0x0;
	s8 =	stileid.u32;
	s28 =	simm.s32 $0x80  }
0x4: {  	s29 =	simm.s32 $0x50;
	s30 =	simm.s32 $0x100;
	s6 =	smul.u32 $0x14000, s8  }
0x5: {  	s31 =	simm.s32 $0x1;
	s2 =	sand.u32 $0x1, s2;
	s7 =	smul.u32 $0x9C4, s8  }
0x6: {  	[smem:$0x7FF] =	sst s3;
	s4 =	sadd.s32 $0x15600, s0;
	s8 =	smul.u32 $0x50000, s8  }
0x7: {  	s5 =	smul.u32 $0x140000, s2;
	_ =	strace $0x8000004D;
	s22 =	ssub.s32 $0x2, s2  }
0x8: {  	s2 =	smul.u32 $0x2800, s2;
	s24 =	sadd.s32 s7, s0;
	s25 =	sshrl.u32 s8, $0x2  }
0x9: {  	s23 =	sshrl.u32 s22, $0x1;
	s5 =	sadd.s32 s6, s5;
	s6 =	sadd.s32 s25, s1  }
0xa: {  	s25 =	simm.s32 $0x2900;
	s5 =	sshrl.u32 s5, $0x3;
	s8 =	sadd.s32 $0x1400, s6  }
0xb: {  	s9 =	sadd.s32 $0x2800, s6;
	s10 =	sadd.s32 $0x3C00, s6;
	s11 =	sadd.s32 $0x5000, s6  }
0xc: {  	s12 =	sadd.s32 $0x6400, s6;
	s13 =	sadd.s32 $0x7800, s6;
	s14 =	sadd.s32 $0x8C00, s6  }
0xd: {  	s15 =	sadd.s32 $0xA000, s6;
	s16 =	sadd.s32 $0xB400, s6;
	s17 =	sadd.s32 $0xC800, s6  }
0xe: {  	s18 =	sadd.s32 $0xDC00, s6;
	s19 =	sadd.s32 $0xF000, s6;
	s20 =	sadd.s32 $0x10400, s6  }
0xf: {  	s21 =	sadd.s32 $0x11800, s6;
	s0 =	sadd.s32 s5, s0;
	s5 =	ssub.s32 s22, s23  }
0x10: {  	s22 =	sadd.s32 $0x12C00, s6;
	s23 =	sadd.s32 $0xB800, s24;
	s0 =	sadd.s32 $0x65600, s0  }
0x11: {  	s24 =	sadd.s32 $0x1A00, s24;
	s26 =	smax.u32 s5, $0x1;
	[dreg:$0x3] =	wrdreg s0  }
0x12: {  	v1 =	vimm.f32 $0.0e+00;
	v0 =	vmov s2;
	[dreg:$0x4] =	wrdreg s26;
	s26 =	simm.s32 $0x2;
	s0 =	simm.s32 $0x0  }
.LBB2_1:
0x13: {  	s2 =	simm.s32 $0x0;
	s5 =	simm.s32 $0x200  }
.LBB2_2:
0x14: {  	p0 =	sne.s32 s5, $0x4E00;
	[tilespmem:s2+$0x2970] =	vst v1  }
0x15: {  	[tilespmem:s2+$0x2900] =	vst v1  }
0x16: {  	[tilespmem:s2+$0x2910] =	vst v1  }
.Ltmp0:
0x17: {  	[tilespmem:s2+$0x2920] =	vst v1;
	(pc) =	sbr.rel @p0 .LBB2_2-.Ltmp0, $4  }
0x18: {  	[tilespmem:s2+$0x2930] =	vst v1  }
0x19: {  	[tilespmem:s2+$0x2940] =	vst v1  }
0x1a: {  	[tilespmem:s2+$0x2950] =	vst v1  }
0x1b: {  	[tilespmem:s2+$0x2960] =	vst v1;
	s2 =	sshra.s32 s5, $0x2;
	s5 =	sadd.s32 $0x200, s5  }
0x1c: {  	[tilespmem:s2+$0x2970] =	vst v1  }
0x1d: {  	[tilespmem:s2+$0x2900] =	vst v1  }
0x1e: {  	[tilespmem:s2+$0x2910] =	vst v1  }
0x1f: {  	[tilespmem:s2+$0x2920] =	vst v1  }
0x20: {  	[tilespmem:s2+$0x2930] =	vst v1  }
0x21: {  	[tilespmem:s2+$0x2940] =	vst v1  }
0x22: {  	[tilespmem:s2+$0x2950] =	vst v1  }
0x23: {  	[tilespmem:s2+$0x2960] =	vst v1  }
0x24: {  	[spmem:s6] =	stream.linear.scatter [tilespmem:s25], [sflag:$0x2], $0x1400, $0x38;
	[tilespmem:$0x17D00] =	vst v63  }
0x25: {  	_ =	swait.ge [sflag:s26], $0x1400  }
0x26: {  	[sflag:s26] =	ssyncset.done $0x0  }
0x27: {  	[sflag:s26] =	ssyncadd.s32 $0xFFFFEC00  }
0x28: {  	[spmem:s8] =	stream.linear.scatter [tilespmem:s25], [sflag:$0x2], $0x1400, $0x38;
	[tilespmem:$0x17D00] =	vst v63  }
0x29: {  	_ =	swait.ge [sflag:s26], $0x1400  }
0x2a: {  	[sflag:s26] =	ssyncset.done $0x0  }
0x2b: {  	[sflag:s26] =	ssyncadd.s32 $0xFFFFEC00  }
0x2c: {  	[spmem:s9] =	stream.linear.scatter [tilespmem:s25], [sflag:$0x2], $0x1400, $0x38;
	[tilespmem:$0x17D00] =	vst v63  }
0x2d: {  	_ =	swait.ge [sflag:s26], $0x1400  }
0x2e: {  	[sflag:s26] =	ssyncset.done $0x0  }
0x2f: {  	[sflag:s26] =	ssyncadd.s32 $0xFFFFEC00  }
0x30: {  	[spmem:s10] =	stream.linear.scatter [tilespmem:s25], [sflag:$0x2], $0x1400, $0x38;
	[tilespmem:$0x17D00] =	vst v63  }
0x31: {  	_ =	swait.ge [sflag:s26], $0x1400  }
0x32: {  	[sflag:s26] =	ssyncset.done $0x0  }
0x33: {  	[sflag:s26] =	ssyncadd.s32 $0xFFFFEC00  }
0x34: {  	[spmem:s11] =	stream.linear.scatter [tilespmem:s25], [sflag:$0x2], $0x1400, $0x38;
	[tilespmem:$0x17D00] =	vst v63  }
0x35: {  	_ =	swait.ge [sflag:s26], $0x1400  }
0x36: {  	[sflag:s26] =	ssyncset.done $0x0  }
0x37: {  	[sflag:s26] =	ssyncadd.s32 $0xFFFFEC00  }
0x38: {  	[spmem:s12] =	stream.linear.scatter [tilespmem:s25], [sflag:$0x2], $0x1400, $0x38;
	[tilespmem:$0x17D00] =	vst v63  }
0x39: {  	_ =	swait.ge [sflag:s26], $0x1400  }
0x3a: {  	[sflag:s26] =	ssyncset.done $0x0  }
0x3b: {  	[sflag:s26] =	ssyncadd.s32 $0xFFFFEC00  }
0x3c: {  	[spmem:s13] =	stream.linear.scatter [tilespmem:s25], [sflag:$0x2], $0x1400, $0x38;
	[tilespmem:$0x17D00] =	vst v63  }
0x3d: {  	_ =	swait.ge [sflag:s26], $0x1400  }
0x3e: {  	[sflag:s26] =	ssyncset.done $0x0  }
0x3f: {  	[sflag:s26] =	ssyncadd.s32 $0xFFFFEC00  }
0x40: {  	[spmem:s14] =	stream.linear.scatter [tilespmem:s25], [sflag:$0x2], $0x1400, $0x38;
	[tilespmem:$0x17D00] =	vst v63  }
0x41: {  	_ =	swait.ge [sflag:s26], $0x1400  }
0x42: {  	[sflag:s26] =	ssyncset.done $0x0  }
0x43: {  	[sflag:s26] =	ssyncadd.s32 $0xFFFFEC00  }
0x44: {  	[spmem:s15] =	stream.linear.scatter [tilespmem:s25], [sflag:$0x2], $0x1400, $0x38;
	[tilespmem:$0x17D00] =	vst v63  }
0x45: {  	_ =	swait.ge [sflag:s26], $0x1400  }
0x46: {  	[sflag:s26] =	ssyncset.done $0x0  }
0x47: {  	[sflag:s26] =	ssyncadd.s32 $0xFFFFEC00  }
0x48: {  	[spmem:s16] =	stream.linear.scatter [tilespmem:s25], [sflag:$0x2], $0x1400, $0x38;
	[tilespmem:$0x17D00] =	vst v63  }
0x49: {  	_ =	swait.ge [sflag:s26], $0x1400  }
0x4a: {  	[sflag:s26] =	ssyncset.done $0x0  }
0x4b: {  	[sflag:s26] =	ssyncadd.s32 $0xFFFFEC00  }
0x4c: {  	[spmem:s17] =	stream.linear.scatter [tilespmem:s25], [sflag:$0x2], $0x1400, $0x38;
	[tilespmem:$0x17D00] =	vst v63  }
0x4d: {  	_ =	swait.ge [sflag:s26], $0x1400  }
0x4e: {  	[sflag:s26] =	ssyncset.done $0x0  }
0x4f: {  	[sflag:s26] =	ssyncadd.s32 $0xFFFFEC00  }
0x50: {  	[spmem:s18] =	stream.linear.scatter [tilespmem:s25], [sflag:$0x2], $0x1400, $0x38;
	[tilespmem:$0x17D00] =	vst v63  }
0x51: {  	_ =	swait.ge [sflag:s26], $0x1400  }
0x52: {  	[sflag:s26] =	ssyncset.done $0x0  }
0x53: {  	[sflag:s26] =	ssyncadd.s32 $0xFFFFEC00  }
0x54: {  	[spmem:s19] =	stream.linear.scatter [tilespmem:s25], [sflag:$0x2], $0x1400, $0x38;
	[tilespmem:$0x17D00] =	vst v63  }
0x55: {  	_ =	swait.ge [sflag:s26], $0x1400  }
0x56: {  	[sflag:s26] =	ssyncset.done $0x0  }
0x57: {  	[sflag:s26] =	ssyncadd.s32 $0xFFFFEC00  }
0x58: {  	[spmem:s20] =	stream.linear.scatter [tilespmem:s25], [sflag:$0x2], $0x1400, $0x38;
	[tilespmem:$0x17D00] =	vst v63  }
0x59: {  	_ =	swait.ge [sflag:s26], $0x1400  }
0x5a: {  	[sflag:s26] =	ssyncset.done $0x0  }
0x5b: {  	[sflag:s26] =	ssyncadd.s32 $0xFFFFEC00  }
0x5c: {  	[spmem:s21] =	stream.linear.scatter [tilespmem:s25], [sflag:$0x2], $0x1400, $0x38;
	[tilespmem:$0x17D00] =	vst v63  }
0x5d: {  	_ =	swait.ge [sflag:s26], $0x1400  }
0x5e: {  	[sflag:s26] =	ssyncset.done $0x0  }
0x5f: {  	[sflag:s26] =	ssyncadd.s32 $0xFFFFEC00  }
0x60: {  	[spmem:s22] =	stream.linear.scatter [tilespmem:s25], [sflag:$0x2], $0x1400, $0x38;
	[tilespmem:$0x17D00] =	vst v63  }
0x61: {  	_ =	swait.ge [sflag:s26], $0x1400  }
0x62: {  	[sflag:s26] =	ssyncset.done $0x0  }
0x63: {  	[sflag:s26] =	ssyncadd.s32 $0xFFFFEC00  }
0x64: {  	s5 =	sadd.s32 $0x0, s24;
	[bflag:$0x0] =	sbarrier.arrive $0xFFFF  }
0x65: {  	[tilespmem:s3], [sflag:$0x2] =	stream.linear.gather [hbm4b:s5+s3], $0x50, $0x38;
	[tilespmem:$0x17D00] =	vst v63  }
0x66: {  	_ =	swait.ge [sflag:s26], $0x50  }
0x67: {  	[sflag:s26] =	ssyncset.done $0x0  }
0x68: {  	s7 =	sadd.s32 $0x0, s23;
	[sflag:s26] =	ssyncadd.s32 $0xFFFFFFB0  }
0x69: {  	[tilespmem:s28], [sflag:$0x2] =	stream.linear.gather [hbm4b:s7+s3], $0x50, $0x38;
	[tilespmem:$0x17D00] =	vst v63  }
0x6a: {  	_ =	swait.ge [sflag:s26], $0x50  }
0x6b: {  	[sflag:s26] =	ssyncset.done $0x0  }
0x6c: {  	[sflag:s26] =	ssyncadd.s32 $0xFFFFFFB0  }
0x6d: {  	v2 =	vld [tilespmem:$0x40]  }
0x6e: {  	v3 =	vld [tilespmem:$0x20]  }
0x6f: {  	v4 =	vld [tilespmem:$0x30]  }
0x70: {  	v5 =	vld [tilespmem:$0x10]  }
0x71: {  	v6 =	vld [tilespmem:$0x0]  }
0x72: {  	v2 =	vadd.s32 v0, v2  }
0x73: {  	v3 =	vadd.s32 v0, v3;
	[tilespmem:$0x40] =	vst v2  }
0x74: {  	[tilespmem:$0x20] =	vst v3;
	v2 =	vadd.s32 v0, v4  }
0x75: {  	v3 =	vadd.s32 v0, v5;
	[tilespmem:$0x30] =	vst v2  }
0x76: {  	v2 =	vadd.s32 v0, v6;
	[tilespmem:$0x10] =	vst v3  }
0x77: {  	[tilespmem:$0x0] =	vst v2  }
0x78: {  	[tilespmem:s30], [sflag:$0x1] =	stream.indirect.gather [hbm4b:s4+s29], $0x80, s3, s29, $0xb8;
	[tilespmem:$0x17D00] =	vst v63  }
0x79: {  	_ =	swait.ge [sflag:s31], $0x2800  }
0x7a: {  	s2 =	simm.s32 $0xA;
	[sflag:s31] =	ssyncset.done $0x0  }
.LBB2_4:
0x7b: {  	p0 =	sne.s32 s2, $0x9BA  }
0x7c: {  	[sflag:s31] =	ssyncadd.s32 $0xFFFFD800;
	s5 =	smov.u32 s2;
	s2 =	sadd.s32 $0xA, s2  }
0x7d: {  	[spmem:s1] =	stream.indirect.scatter.add.f32 [tilespmem:s30], [sflag:$0x2], $0x80, s28, s29, $0xb8;
	[tilespmem:$0x17D00] =	vst v63  }
0x7e: {  	_ =	swait.ge [sflag:s26], $0x2800  }
0x7f: {  	[sflag:s26] =	ssyncset.done $0x0  }
0x80: {  	s7 =	sadd.s32 s5, s24;
	[sflag:s26] =	ssyncadd.s32 $0xFFFFD800  }
0x81: {  	[tilespmem:s3], [sflag:$0x2] =	stream.linear.gather [hbm4b:s7+s3], $0x50, $0x38;
	[tilespmem:$0x17D00] =	vst v63  }
0x82: {  	_ =	swait.ge [sflag:s26], $0x50  }
0x83: {  	[sflag:s26] =	ssyncset.done $0x0  }
0x84: {  	s5 =	sadd.s32 s5, s23;
	[sflag:s26] =	ssyncadd.s32 $0xFFFFFFB0  }
0x85: {  	[tilespmem:s28], [sflag:$0x2] =	stream.linear.gather [hbm4b:s5+s3], $0x50, $0x38;
	[tilespmem:$0x17D00] =	vst v63  }
0x86: {  	_ =	swait.ge [sflag:s26], $0x50  }
0x87: {  	[sflag:s26] =	ssyncset.done $0x0  }
0x88: {  	[sflag:s26] =	ssyncadd.s32 $0xFFFFFFB0  }
0x89: {  	v2 =	vld [tilespmem:$0x40]  }
0x8a: {  	v3 =	vld [tilespmem:$0x20]  }
0x8b: {  	v4 =	vld [tilespmem:$0x30]  }
0x8c: {  	v5 =	vld [tilespmem:$0x10]  }
0x8d: {  	v6 =	vld [tilespmem:$0x0]  }
0x8e: {  	v2 =	vadd.s32 v0, v2  }
0x8f: {  	v3 =	vadd.s32 v0, v3;
	[tilespmem:$0x40] =	vst v2  }
0x90: {  	[tilespmem:$0x20] =	vst v3;
	v2 =	vadd.s32 v0, v4  }
0x91: {  	v3 =	vadd.s32 v0, v5;
	[tilespmem:$0x30] =	vst v2  }
.Ltmp1:
0x92: {  	v2 =	vadd.s32 v0, v6;
	[tilespmem:$0x10] =	vst v3;
	(pc) =	sbr.rel @p0 .LBB2_4-.Ltmp1, $4  }
0x93: {  	[tilespmem:$0x0] =	vst v2  }
0x94: {  	[tilespmem:s30], [sflag:$0x1] =	stream.indirect.gather [hbm4b:s4+s29], $0x80, s3, s29, $0xb8;
	[tilespmem:$0x17D00] =	vst v63  }
0x95: {  	_ =	swait.ge [sflag:s31], $0x2800  }
0x96: {  	[sflag:s31] =	ssyncset.done $0x0  }
0x97: {  	[sflag:s31] =	ssyncadd.s32 $0xFFFFD800  }
0x98: {  	[spmem:s1] =	stream.indirect.scatter.add.f32 [tilespmem:s30], [sflag:$0x2], $0x80, s28, s29, $0xb8;
	[tilespmem:$0x17D00] =	vst v63  }
0x99: {  	_ =	swait.ge [sflag:s26], $0x2800  }
0x9a: {  	[sflag:s26] =	ssyncset.done $0x0  }
0x9b: {  	s2 =	stileid.u32;
	[sflag:s26] =	ssyncadd.s32 $0xFFFFD800  }
0x9c: {  	s2 =	sshll.u32 s2, $0x6;
	[bflag:$0x0] =	sbarrier.arrive $0xFFFF  }
0x9d: {  	s5 =	sshrl.u32 s6, $0x3;
	s2 =	sor.u32 $0x1C02, s2;
	s7 =	rddreg [dreg:$0x3]  }
0x9e: {  	[hbm:s7], [sflag:s2] =	dma.local [spmem:s5], $0x2800  }
0x9f: {  	_ =	swait.ge [sflag:s26], $0x2800  }
0xa0: {  	s0 =	sadd.s32 $0x1, s0;
	s7 =	rddreg [dreg:$0x4]  }
0xa1: {  	p0 =	sne.s32 s0, s7  }
.Ltmp2:
0xa2: {  	_ = 	snop;
	(pc) =	sbr.rel @p0 .LBB2_1-.Ltmp2, $3  }
0xa3: {  	_ =	sdelay $0x1  }
0xa4: {  	[sflag:s26] =	ssyncset.done $0x0  }
0xa5: {  	[sflag:s26] =	ssyncadd.s32 $0xFFFFD800  }
0xa6: {  	_ =	sfence.sel $0x180000  }
0xa7: {  	[bflag:$0x0] =	sbarrier.arrive $0xFFFF  }
0xa8: {  	_ =	strace $0x9000004D  }
0xa9: {  	s0 =	stileid.u32;
	[bflag:$0x2] =	sbarrier.arrive $0xFFFF  }
0xaa: {  	p0 =	sne.s32 s0, $0x0;
	s0 =	rddreg [dreg:$0x2]  }
0xab: {  	s0 =	sadd.s32 @!p0 $0x100000, s0  }
0xac: {  	[sflag:s0] =	ssyncadd.tile.s32 @!p0 $0x1;
	_ =	shalt  }
.Lfunc_end2:
_tile_overlayer_lowered:
.L_overlay_start_2:
0xad: {  	(tag) =	ssettag $0x2  }
0xae: {  	s0 =	rddreg [dreg:$0x0];
	s2 =	stileid.u32  }
0xaf: {  	s1 =	rddreg [dreg:$0x1];
	p0 =	sne.s32 s2, $0x0  }
0xb0: {  	s3 =	rddreg [dreg:$0x2];
	[bflag:$0x3] =	sbarrier.arrive $0xFFFF;
	s2 =	simm.s32 @!p0 $0x1C02  }
0xb1: {  	[timem:s3], [sflag:s2] =	dma.local @!p0 [hbm:s0], s1  }
0xb2: {  	s0 =	simm.s32 @!p0 $0x2  }
0xb3: {  	_ =	swait.ge @!p0 [sflag:s0], s1  }
0xb4: {  	s1 =	ssub.s32 @!p0 $0x0, s1;
	[sflag:s0] =	ssyncset.done @!p0 $0x0  }
0xb5: {  	[sflag:s0] =	ssyncadd.s32 @!p0 s1  }
0xb6: {  	[bflag:$0x3] =	sbarrier.arrive $0xFFFF  }
0xb7: {  	_ =	shalt  }

// kernel: kernel.8.cloned.1.call-start
scs
__scs_entry_jumppad:
0x0: {  	(pc) =	sbr.rel $0x88, $3  }
0x1: {  	(tag) =	ssettag $0x0;
	lr =	simm.s32 $0x1  }
0x2: {  	[smem:$0x3F99] =	sst lr;
	_ =	strace $0xD0000000  }
0x3: {  	_ = 	snop  }
0x4: {  	_ = 	snop  }
0x5: {  	_ = 	snop  }
0x6: {  	_ = 	snop  }
0x7: {  	_ = 	snop  }
__scs_overlays_trampoline_lowered:
0x8: {  	[smem:$0x3FA8] =	sst s0  }
0x9: {  	[smem:$0x3FA9] =	sst s1  }
0xa: {  	[smem:$0x3FAA] =	sst s2  }
0xb: {  	[smem:$0x3FAB] =	sst s3  }
0xc: {  	[smem:$0x3FAC] =	sst s4  }
0xd: {  	[smem:$0x3FAD] =	sst s5  }
0xe: {  	[smem:$0x3FAE] =	sst s6  }
0xf: {  	[smem:$0x3FAF] =	sst s7  }
0x10: {  	[smem:$0x3FB0] =	sst s8  }
0x11: {  	[smem:$0x3FB1] =	sst s9;
	s0 =	simm.s32 @!p0 $0x0  }
0x12: {  	s1 =	sld [smem:$0x3F97];
	s0 =	simm.s32 @p0 $0x1  }
0x13: {  	[smem:$0x3FB2] =	sst s0;
	s0 =	simm.s32 @!p1 $0x0  }
0x14: {  	s2 =	sld [smem:$0x3F96];
	s0 =	simm.s32 @p1 $0x1  }
0x15: {  	[smem:$0x3FB3] =	sst s0;
	s0 =	simm.s32 @!p2 $0x0  }
0x16: {  	s3 =	sld [smem:$0x3FDB];
	s0 =	simm.s32 @p2 $0x1  }
0x17: {  	s4 =	simm.s32 $0x1BF5;
	[smem:$0x3FB5] =	sst s0  }
0x18: {  	s0 =	sld [smem:$0x3F98];
	_ =	swait.ge [sflag:s4], $0x0  }
0x19: {  	s7 =	sld [smem:$0x3F99]  }
0x1a: {  	s8 =	sadd.s32 $0xFFFFE003, lr  }
0x1b: {  	s9 =	sadd.s32 $0xFFFFFEF7, lr;
	s5 =	simm.s32 $0xFFFFFFFF;
	p2 =	slt.u32 s8, $0xFFFFF086  }
0x1c: {  	p1 =	slt.u32 s9, $0xF7A;
	s5 =	simm.s32 @!p2 $0x0  }
0x1d: {  	s5 =	simm.s32 @p1 $0x1;
	p0 =	seq.s32 s7, s2  }
0x1e: {  	s7 =	smul.u32 @!p0 $0xF7A, s2;
	p2 =	seq.s32 @!p0 s5, $0x0  }
0x1f: {  	s9 =	smul.u32 $0xF7A, s1;
	s8 =	simm.s32 @!p0 $0x1BF5;
	p2 =	por !p2, p0  }
0x20: {  	[sflag:s8] =	ssyncset.s32 @!p0 $0xFFFFF086;
	s6 =	sadd.s32 @!p0 s3, s7;
	s7 =	simm.s32 @!p0 $0x108  }
0x21: {  	s3 =	sadd.s32 s3, s9;
	s6 =	sadd.s32 @!p0 $0x88, s6;
	s7 =	simm.s32 @p2 $0x1082  }
0x22: {  	[simem:s7], [sflag:s8] =	dma.local @!p0 [hbm:s6], $0xF7A  }
0x23: {  	s9 =	sor.u32 $0xD0000000, s2;
	s6 =	simm.s32 $0x108;
	_ =	swait.ge @!p0 [sflag:s8], $0x0  }
0x24: {  	s3 =	sadd.s32 $0x88, s3;
	s6 =	simm.s32 @!p1 $0x1082;
	[sflag:s4] =	ssyncset.s32 $0xFFFFF086  }
0x25: {  	[simem:s6], [sflag:s4] =	dma.local [hbm:s3], $0xF7A  }
0x26: {  	[smem:$0x3F99] =	sst s1;
	(tag) =	ssettag s2;
	_ =	strace s9  }
0x27: {  	s1 =	sld [smem:$0x3FA9]  }
0x28: {  	s2 =	sld [smem:$0x3FAA]  }
0x29: {  	s4 =	sld [smem:$0x3FAC]  }
0x2a: {  	p0 =	seq.s32 s5, $0x0;
	s5 =	sld [smem:$0x3FAD]  }
0x2b: {  	s6 =	sld [smem:$0x3FAE]  }
0x2c: {  	s7 =	sld [smem:$0x3FAF]  }
0x2d: {  	s3 =	simm.s32 $0x108;
	s8 =	sld [smem:$0x3FB0]  }
0x2e: {  	s3 =	simm.s32 @!p0 $0x1082;
	s9 =	sld [smem:$0x3FB1]  }
0x2f: {  	lr =	sadd.s32 s0, s3;
	s0 =	sld [smem:$0x3FA8]  }
0x30: {  	s3 =	sld [smem:$0x3FAB]  }
0x31: {  	[smem:$0x3FB4] =	sst s10  }
0x32: {  	s10 =	sld [smem:$0x3FB2];
	_ =	sdelay $0x3  }
0x33: {  	p0 =	seq.s32 s10, $0x1;
	s10 =	sld [smem:$0x3FB4];
	_ =	sdelay $0x3  }
0x34: {  	[smem:$0x3FB4] =	sst s10  }
0x35: {  	s10 =	sld [smem:$0x3FB3];
	_ =	sdelay $0x3  }
0x36: {  	p1 =	seq.s32 s10, $0x1;
	s10 =	sld [smem:$0x3FB4];
	_ =	sdelay $0x3  }
0x37: {  	[smem:$0x3FB4] =	sst s10  }
0x38: {  	s10 =	sld [smem:$0x3FB5]  }
0x39: {  	_ = 	snop;
	(pc) =	sbr.ind lr, $3  }
0x3a: {  	_ = 	snop  }
0x3b: {  	_ = 	snop  }
0x3c: {  	p2 =	seq.s32 s10, $0x1;
	s10 =	sld [smem:$0x3FB4]  }
0x3d: {  	_ =	shalt  }
0x3e: {  	_ =	shalt  }
0x3f: {  	_ =	shalt  }
0x40: {  	_ =	shalt  }
0x41: {  	_ =	shalt  }
0x42: {  	_ =	shalt  }
0x43: {  	_ =	shalt  }
0x44: {  	_ =	shalt  }
0x45: {  	_ =	shalt  }
0x46: {  	_ =	shalt  }
0x47: {  	_ =	shalt  }
0x48: {  	_ =	shalt  }
0x49: {  	_ =	shalt  }
0x4a: {  	_ =	shalt  }
0x4b: {  	_ =	shalt  }
0x4c: {  	_ =	shalt  }
0x4d: {  	_ =	shalt  }
0x4e: {  	_ =	shalt  }
0x4f: {  	_ =	shalt  }
0x50: {  	_ =	shalt  }
0x51: {  	_ =	shalt  }
0x52: {  	_ =	shalt  }
0x53: {  	_ =	shalt  }
0x54: {  	_ =	shalt  }
0x55: {  	_ =	shalt  }
0x56: {  	_ =	shalt  }
0x57: {  	_ =	shalt  }
0x58: {  	_ =	shalt  }
0x59: {  	_ =	shalt  }
0x5a: {  	_ =	shalt  }
0x5b: {  	_ =	shalt  }
0x5c: {  	_ =	shalt  }
0x5d: {  	_ =	shalt  }
0x5e: {  	_ =	shalt  }
0x5f: {  	_ =	shalt  }
0x60: {  	_ =	shalt  }
0x61: {  	_ =	shalt  }
0x62: {  	_ =	shalt  }
0x63: {  	_ =	shalt  }
0x64: {  	_ =	shalt  }
0x65: {  	_ =	shalt  }
0x66: {  	_ =	shalt  }
0x67: {  	_ =	shalt  }
0x68: {  	_ =	shalt  }
0x69: {  	_ =	shalt  }
0x6a: {  	_ =	shalt  }
0x6b: {  	_ =	shalt  }
0x6c: {  	_ =	shalt  }
0x6d: {  	_ =	shalt  }
0x6e: {  	_ =	shalt  }
0x6f: {  	_ =	shalt  }
0x70: {  	_ =	shalt  }
0x71: {  	_ =	shalt  }
0x72: {  	_ =	shalt  }
0x73: {  	_ =	shalt  }
0x74: {  	_ =	shalt  }
0x75: {  	_ =	shalt  }
0x76: {  	_ =	shalt  }
0x77: {  	_ =	shalt  }
0x78: {  	_ =	shalt  }
0x79: {  	_ =	shalt  }
0x7a: {  	_ =	shalt  }
0x7b: {  	_ =	shalt  }
0x7c: {  	_ =	shalt  }
0x7d: {  	_ =	shalt  }
0x7e: {  	_ =	shalt  }
0x7f: {  	_ =	shalt  }
0x80: {  	_ =	shalt  }
0x81: {  	_ =	shalt  }
0x82: {  	_ =	shalt  }
0x83: {  	_ =	shalt  }
0x84: {  	_ =	shalt  }
0x85: {  	_ =	shalt  }
0x86: {  	_ =	shalt  }
0x87: {  	_ =	shalt  }
.Lfunc_end0:
.L_simem_size_0:
called_computation_lowered:
.L_overlay_start_0:
0x88: {  	s2 =	sld [smem:$0x3FD9]  }
0x89: {  	s3 =	sld [smem:$0x3FFE];
	_ =	sdelay $0x1  }
0x8a: {  	s1 =	srdreg.scid  }
0x8b: {  	s0 =	sand.u32 $0x1, s1  }
0x8c: {  	s16 =	sshll.u32 s0, $0xA;
	s2 =	sadd.s32 s3, s2  }
0x8d: {  	s2 =	sadd.s32 s2, s16  }
0x8e: {  	[smem:$0x3FC0] =	sst s2  }
0x8f: {  	_ = 	snop  }
0x90: {  	(tm) =	ssettm $0x1  }
0x91: {  	s17 =	sld [smem:$0x3FFB];
	_ =	sdelay $0x3  }
0x92: {  	_ =	strace s17  }
0x93: {  	s2 =	sld [smem:$0x3FFC];
	_ =	sdelay $0x3  }
0x94: {  	_ =	strace s2  }
0x95: {  	s2 =	sld [smem:$0x3FFD];
	_ =	sdelay $0x3  }
0x96: {  	_ =	strace s2  }
0x97: {  	_ =	strace $0x8FFFFFFF  }
0x98: {  	s18 =	sld [smem:$0x3FDB];
	_ =	sdelay $0x1  }
0x99: {  	s19 =	simm.s32 $_scs_section_size  }
0x9a: {  	s4 =	simm.s32 $_size__tile_overlayer_lowered;
	s5 =	simm.s32 $_tile_overlayer_lowered  }
0x9b: {  	s22 =	simm.s32 $0x1BFF;
	s21 =	sshll.u32 s5, $0x1;
	s2 =	sadd.s32 s19, s18  }
0x9c: {  	s6 =	simm.s32 $0x0;
	s20 =	sshll.u32 s4, $0x1;
	s4 =	sadd.s32 s21, s2  }
0x9d: {  	[timem:s6], [sflag:s22] =	dma.local [hbm:s4], s20  }
0x9e: {  	_ =	swait.ge [sflag:s22], s20  }
0x9f: {  	s3 =	ssub.s32 $0x0, s20;
	[sflag:s22] =	ssyncset.done $0x0  }
0xa0: {  	[sflag:s22] =	ssyncadd.s32 s3;
	_ =	sdelay $0x1  }
0xa1: {  	s23 =	simm.s32 $0x1B8B  }
0xa2: {  	_ =	swait.ge [sflag:s23], $0x1  }
0xa3: {  	[sflag:s23] =	ssyncset.done $0x0  }
0xa4: {  	s25 =	simm.s32 $0x1B8E;
	s24 =	sld [smem:$0x3FFE];
	[sflag:s23] =	ssyncadd.s32 $0xFFFFFFFF  }
0xa5: {  	s26 =	simm.s32 $execute0_lowered;
	[smem:$0x3FD2] =	sst s25  }
0xa6: {  	s4 =	sshll.u32 s26, $0x1;
	_ =	strace $0x80000046;
	[dreg:$0x1] =	wrdreg $0xFFFFFFFF  }
0xa7: {  	s28 =	simm.s32 $_size_execute0_lowered;
	s2 =	sadd.s32 s2, s4;
	[dreg:$0x0] =	wrdreg $0x0  }
0xa8: {  	s4 =	sshll.u32 s28, $0x1;
	[dreg:$0x2] =	wrdreg s2  }
0xa9: {  	[dreg:$0x3] =	wrdreg s4  }
0xaa: {  	[dreg:$0x4] =	wrdreg $0xC0  }
0xab: {  	_ =	task [dreg:s6], $0x5FFFF  }
0xac: {  	[dreg:$0x1] =	wrdreg $0xFFFFFFFF  }
0xad: {  	[dreg:$0x0] =	wrdreg $0x60  }
0xae: {  	[dreg:$0x2] =	wrdreg s24  }
0xaf: {  	[dreg:$0x3] =	wrdreg $0x28800  }
0xb0: {  	[dreg:$0x4] =	wrdreg $0x9  }
0xb1: {  	_ =	task.clear_ibuf [dreg:s6], $0x5FFFF;
	_ =	strace $0x90000046  }
0xb2: {  	s29 =	simm.s32 $0x9;
	_ =	strace $0x80000048  }
0xb3: {  	_ =	swait.ge [sflag:s29], $0x1  }
0xb4: {  	[sflag:s29] =	ssyncadd.s32 $0xFFFFFFFF  }
0xb5: {  	_ =	strace $0x90000048  }
0xb6: {  	_ =	sfence  }
0xb7: {  	s30 =	sld [smem:$0x0];
	_ =	sdelay $0x2  }
0xb8: {  	s31 =	sshll.u32 s1, $0xD;
	s1 =	sshrl.u32 s1, $0x2  }
0xb9: {  	s3 =	sand.u32 $0x4000, s31;
	s1 =	sadd.s32 s1, s30  }
0xba: {  	s0 =	sor.u32 s3, s0;
	s1 =	sshll.u32 s1, $0x11  }
0xbb: {  	s0 =	sor.u32 s1, s0  }
0xbc: {  	s0 =	sadd.s32 $0x8F2B, s0  }
0xbd: {  	[sflag:s0] =	ssyncadd.remote.s32 $0x1  }
0xbe: {  	_ =	sfence.sel $0xFFFF  }
0xbf: {  	[dreg:$0x0] =	wrdreg $0xFFFFFFFF;
	(pc) =	sbr.abs _section_cstart, $3  }
0xc0: {  	[dreg:$0x1] =	wrdreg $0xFFFFFFFF  }
0xc1: {  	_ =	task.clear_ibuf [dreg:s6], $0x2FFFF;
	_ =	strace $0x9FFFFFFF  }
0xc2: {  	(tm) =	ssettm $0x7FFFFFFF  }
0xc3: {  	_ =	shalt  }
tec
execute0_lowered:
.L_overlay_start_1:
0x0: {  	(tag) =	ssettag $0x1  }
0x1: {  	s4 =	rddreg [dreg:$0x0]  }
0x2: {  	s0 =	srdreg.scid;
	s2 =	rddreg [dreg:$0x1]  }
0x3: {  	s1 =	rddreg [dreg:$0x2];
	s3 =	simm.s32 $0x0;
	s5 =	sand.u32 $0x1, s0  }
0x4: {  	s15 =	simm.s32 $0x80;
	s0 =	stileid.u32;
	s6 =	smul.u32 $0x27100, s5  }
0x5: {  	s16 =	simm.s32 $0x1;
	s17 =	simm.s32 $0x50;
	s7 =	smul.u32 $0x2710, s0  }
0x6: {  	s20 =	simm.s32 $0x0;
	[smem:$0x7FF] =	sst s3;
	s8 =	smul.u32 $0x140000, s5  }
0x7: {  	s25 =	smul.u32 $0x14000, s0;
	_ =	strace $0x80000047;
	s5 =	ssub.s32 $0x2, s5  }
0x8: {  	s26 =	smul.u32 $0x50000, s0;
	s18 =	sshll.u32 s0, $0x6;
	s29 =	sshrl.u32 s5, $0x1  }
0x9: {  	s18 =	sor.u32 $0x1C01, s18;
	s6 =	sadd.s32 s7, s6;
	s7 =	sadd.s32 s25, s8  }
0xa: {  	s30 =	ssub.s32 s5, s29;
	s31 =	sshrl.u32 s26, $0x2;
	s6 =	sshrl.u32 s6, $0x3  }
0xb: {  	s28 =	sshrl.u32 s7, $0x3;
	s5 =	sadd.s32 s31, s2;
	s14 =	sadd.s32 s6, s4  }
0xc: {  	s4 =	sadd.s32 s28, s4;
	s6 =	smax.u32 s30, $0x1;
	s7 =	sadd.s32 $0x2800, s5  }
0xd: {  	s8 =	sadd.s32 $0x5000, s5;
	s9 =	sadd.s32 $0x7800, s5;
	s10 =	sadd.s32 $0xA000, s5  }
0xe: {  	s11 =	sadd.s32 $0xC800, s5;
	s12 =	sadd.s32 $0xF000, s5;
	s13 =	sadd.s32 $0x11800, s5  }
0xf: {  	v0 =	vimm.f32 $0.0e+00;
	v1 =	vimm.f32 $1.000000000e+00;
	s19 =	sshrl.u32 s5, $0x3;
	s4 =	sadd.s32 $0x15600, s4;
	s14 =	sadd.s32 $0xB800, s14  }
.LBB2_1:
0x10: {  	s21 =	simm.s32 $0x0;
	s22 =	simm.s32 $0x200  }
.LBB2_2:
0x11: {  	p0 =	sne.s32 s22, $0x9E00;
	[tilespmem:s21+$0xF0] =	vst v0  }
0x12: {  	[tilespmem:s21+$0x80] =	vst v0  }
0x13: {  	[tilespmem:s21+$0x90] =	vst v0  }
.Ltmp0:
0x14: {  	[tilespmem:s21+$0xA0] =	vst v0;
	(pc) =	sbr.rel @p0 .LBB2_2-.Ltmp0, $4  }
0x15: {  	[tilespmem:s21+$0xB0] =	vst v0  }
0x16: {  	[tilespmem:s21+$0xC0] =	vst v0  }
0x17: {  	[tilespmem:s21+$0xD0] =	vst v0  }
0x18: {  	[tilespmem:s21+$0xE0] =	vst v0;
	s21 =	sshra.s32 s22, $0x2;
	s22 =	sadd.s32 $0x200, s22  }
0x19: {  	[tilespmem:s21+$0xF0] =	vst v0  }
0x1a: {  	[tilespmem:s21+$0x80] =	vst v0  }
0x1b: {  	[tilespmem:s21+$0x90] =	vst v0  }
0x1c: {  	[tilespmem:s21+$0xA0] =	vst v0  }
0x1d: {  	[tilespmem:s21+$0xB0] =	vst v0  }
0x1e: {  	[tilespmem:s21+$0xC0] =	vst v0  }
0x1f: {  	[tilespmem:s21+$0xD0] =	vst v0  }
0x20: {  	[tilespmem:s21+$0xE0] =	vst v0  }
0x21: {  	[spmem:s5] =	stream.linear.scatter [tilespmem:s15], [sflag:$0x1], $0x2800, $0x38;
	[tilespmem:$0x16880] =	vst v63  }
0x22: {  	_ =	swait.ge [sflag:s16], $0x2800  }
0x23: {  	[sflag:s16] =	ssyncset.done $0x0  }
0x24: {  	[sflag:s16] =	ssyncadd.s32 $0xFFFFD800  }
0x25: {  	[spmem:s7] =	stream.linear.scatter [tilespmem:s15], [sflag:$0x1], $0x2800, $0x38;
	[tilespmem:$0x16880] =	vst v63  }
0x26: {  	_ =	swait.ge [sflag:s16], $0x2800  }
0x27: {  	[sflag:s16] =	ssyncset.done $0x0  }
0x28: {  	[sflag:s16] =	ssyncadd.s32 $0xFFFFD800  }
0x29: {  	[spmem:s8] =	stream.linear.scatter [tilespmem:s15], [sflag:$0x1], $0x2800, $0x38;
	[tilespmem:$0x16880] =	vst v63  }
0x2a: {  	_ =	swait.ge [sflag:s16], $0x2800  }
0x2b: {  	[sflag:s16] =	ssyncset.done $0x0  }
0x2c: {  	[sflag:s16] =	ssyncadd.s32 $0xFFFFD800  }
0x2d: {  	[spmem:s9] =	stream.linear.scatter [tilespmem:s15], [sflag:$0x1], $0x2800, $0x38;
	[tilespmem:$0x16880] =	vst v63  }
0x2e: {  	_ =	swait.ge [sflag:s16], $0x2800  }
0x2f: {  	[sflag:s16] =	ssyncset.done $0x0  }
0x30: {  	[sflag:s16] =	ssyncadd.s32 $0xFFFFD800  }
0x31: {  	[spmem:s10] =	stream.linear.scatter [tilespmem:s15], [sflag:$0x1], $0x2800, $0x38;
	[tilespmem:$0x16880] =	vst v63  }
0x32: {  	_ =	swait.ge [sflag:s16], $0x2800  }
0x33: {  	[sflag:s16] =	ssyncset.done $0x0  }
0x34: {  	[sflag:s16] =	ssyncadd.s32 $0xFFFFD800  }
0x35: {  	[spmem:s11] =	stream.linear.scatter [tilespmem:s15], [sflag:$0x1], $0x2800, $0x38;
	[tilespmem:$0x16880] =	vst v63  }
0x36: {  	_ =	swait.ge [sflag:s16], $0x2800  }
0x37: {  	[sflag:s16] =	ssyncset.done $0x0  }
0x38: {  	[sflag:s16] =	ssyncadd.s32 $0xFFFFD800  }
0x39: {  	[spmem:s12] =	stream.linear.scatter [tilespmem:s15], [sflag:$0x1], $0x2800, $0x38;
	[tilespmem:$0x16880] =	vst v63  }
0x3a: {  	_ =	swait.ge [sflag:s16], $0x2800  }
0x3b: {  	[sflag:s16] =	ssyncset.done $0x0  }
0x3c: {  	[sflag:s16] =	ssyncadd.s32 $0xFFFFD800  }
0x3d: {  	[spmem:s13] =	stream.linear.scatter [tilespmem:s15], [sflag:$0x1], $0x2800, $0x38;
	[tilespmem:$0x16880] =	vst v63  }
0x3e: {  	_ =	swait.ge [sflag:s16], $0x2800  }
0x3f: {  	[sflag:s16] =	ssyncset.done $0x0  }
0x40: {  	s21 =	simm.s32 $0x0;
	s22 =	simm.s32 $0x200;
	[sflag:s16] =	ssyncadd.s32 $0xFFFFD800  }
.LBB2_4:
0x41: {  	p0 =	sne.s32 s22, $0x9E00;
	[tilespmem:s21+$0xF0] =	vst v1  }
0x42: {  	[tilespmem:s21+$0x80] =	vst v1  }
0x43: {  	[tilespmem:s21+$0x90] =	vst v1  }
.Ltmp1:
0x44: {  	[tilespmem:s21+$0xA0] =	vst v1;
	(pc) =	sbr.rel @p0 .LBB2_4-.Ltmp1, $4  }
0x45: {  	[tilespmem:s21+$0xB0] =	vst v1  }
0x46: {  	[tilespmem:s21+$0xC0] =	vst v1  }
0x47: {  	[tilespmem:s21+$0xD0] =	vst v1  }
0x48: {  	[tilespmem:s21+$0xE0] =	vst v1;
	s21 =	sshra.s32 s22, $0x2;
	s22 =	sadd.s32 $0x200, s22  }
0x49: {  	[tilespmem:s21+$0xF0] =	vst v1  }
0x4a: {  	[tilespmem:s21+$0x80] =	vst v1  }
0x4b: {  	[tilespmem:s21+$0x90] =	vst v1  }
0x4c: {  	[tilespmem:s21+$0xA0] =	vst v1  }
0x4d: {  	[tilespmem:s21+$0xB0] =	vst v1  }
0x4e: {  	[tilespmem:s21+$0xC0] =	vst v1  }
0x4f: {  	[tilespmem:s21+$0xD0] =	vst v1  }
0x50: {  	[tilespmem:s21+$0xE0] =	vst v1  }
0x51: {  	s31 =	sadd.s32 $0x0, s14;
	[bflag:$0x0] =	sbarrier.arrive $0xFFFF  }
0x52: {  	[tilespmem:s3], [sflag:$0x1] =	stream.linear.gather [hbm4b:s31+s3], $0x50, $0x38;
	[tilespmem:$0x16880] =	vst v63  }
0x53: {  	_ =	swait.ge [sflag:s16], $0x50  }
0x54: {  	[sflag:s16] =	ssyncset.done $0x0  }
0x55: {  	[sflag:s16] =	ssyncadd.s32 $0xFFFFFFB0  }
0x56: {  	[spmem:s2] =	stream.indirect.scatter.add.f32 [tilespmem:s15], [sflag:$0x1], $0x80, s3, s17, $0xb8;
	[tilespmem:$0x16880] =	vst v63  }
0x57: {  	_ =	swait.ge [sflag:s16], $0x2800  }
0x58: {  	s21 =	simm.s32 $0xA;
	s22 =	simm.s32 $0x14;
	[sflag:s16] =	ssyncset.done $0x0  }
.LBB2_6:
0x59: {  	s23 =	sadd.s32 s21, s14  }
0x5a: {  	[sflag:s16] =	ssyncadd.s32 $0xFFFFD800;
	s21 =	smov.u32 s22;
	s24 =	sadd.s32 $0xA, s22  }
0x5b: {  	[tilespmem:s3], [sflag:$0x1] =	stream.linear.gather [hbm4b:s23+s3], $0x50, $0x38;
	[tilespmem:$0x16880] =	vst v63  }
0x5c: {  	p0 =	sne.s32 s22, $0x4D8;
	_ =	swait.ge [sflag:s16], $0x50  }
.Ltmp2:
0x5d: {  	[sflag:s16] =	ssyncset.done $0x0;
	(pc) =	sbr.rel @p0 .LBB2_6-.Ltmp2, $4  }
0x5e: {  	[sflag:s16] =	ssyncadd.s32 $0xFFFFFFB0  }
0x5f: {  	[spmem:s2] =	stream.indirect.scatter.add.f32 [tilespmem:s15], [sflag:$0x1], $0x80, s3, s17, $0xb8;
	[tilespmem:$0x16880] =	vst v63  }
0x60: {  	_ =	swait.ge [sflag:s16], $0x2800  }
0x61: {  	s22 =	smov.u32 s24;
	[sflag:s16] =	ssyncset.done $0x0  }
0x62: {  	s21 =	sadd.s32 s21, s14;
	[sflag:s16] =	ssyncadd.s32 $0xFFFFD800  }
0x63: {  	[tilespmem:s3], [sflag:$0x1] =	stream.linear.gather [hbm4b:s21+s3], $0x50, $0x38;
	[tilespmem:$0x16880] =	vst v63  }
0x64: {  	_ =	swait.ge [sflag:s16], $0x50  }
0x65: {  	[sflag:s16] =	ssyncset.done $0x0  }
0x66: {  	[sflag:s16] =	ssyncadd.s32 $0xFFFFFFB0  }
0x67: {  	[spmem:s2] =	stream.indirect.scatter.add.f32 [tilespmem:s15], [sflag:$0x1], $0x80, s3, s17, $0xb8;
	[tilespmem:$0x16880] =	vst v63  }
0x68: {  	_ =	swait.ge [sflag:s16], $0x2800  }
0x69: {  	s20 =	sadd.s32 $0x1, s20;
	[sflag:s16] =	ssyncset.done $0x0  }
0x6a: {  	p0 =	sne.s32 s20, s6;
	[sflag:s16] =	ssyncadd.s32 $0xFFFFD800  }
.Ltmp3:
0x6b: {  	[bflag:$0x0] =	sbarrier.arrive $0xFFFF;
	(pc) =	sbr.rel @p0 .LBB2_1-.Ltmp3, $4  }
0x6c: {  	[hbm:s4], [sflag:s18] =	dma.local [spmem:s19], $0x2800  }
0x6d: {  	_ =	swait.ge [sflag:s16], $0x2800  }
0x6e: {  	[sflag:s16] =	ssyncset.done $0x0  }
0x6f: {  	[sflag:s16] =	ssyncadd.s32 $0xFFFFD800  }
0x70: {  	_ =	sfence.sel $0x180000  }
0x71: {  	[bflag:$0x0] =	sbarrier.arrive $0xFFFF  }
0x72: {  	p0 =	sne.s32 s0, $0x0;
	_ =	strace $0x90000047  }
0x73: {  	s0 =	sadd.s32 @!p0 $0x100000, s1;
	[bflag:$0x2] =	sbarrier.arrive $0xFFFF  }
0x74: {  	[sflag:s0] =	ssyncadd.tile.s32 @!p0 $0x1;
	_ =	shalt  }
.Lfunc_end2:
_tile_overlayer_lowered:
.L_overlay_start_2:
0x75: {  	(tag) =	ssettag $0x2  }
0x76: {  	s0 =	rddreg [dreg:$0x0];
	s2 =	stileid.u32  }
0x77: {  	s1 =	rddreg [dreg:$0x1];
	p0 =	sne.s32 s2, $0x0  }
0x78: {  	s3 =	rddreg [dreg:$0x2];
	[bflag:$0x3] =	sbarrier.arrive $0xFFFF;
	s2 =	simm.s32 @!p0 $0x1C01  }
0x79: {  	[timem:s3], [sflag:s2] =	dma.local @!p0 [hbm:s0], s1  }
0x7a: {  	s0 =	simm.s32 @!p0 $0x1  }
0x7b: {  	_ =	swait.ge @!p0 [sflag:s0], s1  }
0x7c: {  	s1 =	ssub.s32 @!p0 $0x0, s1;
	[sflag:s0] =	ssyncset.done @!p0 $0x0  }
0x7d: {  	[sflag:s0] =	ssyncadd.s32 @!p0 s1  }
0x7e: {  	[bflag:$0x3] =	sbarrier.arrive $0xFFFF  }
0x7f: {  	_ =	shalt  }

</sc_bundles>
